<compile_context>
chip_gen: v7x
topology: tpu7x:2x2x1
jax: 0.10.2.dev20260603
libtpu: 0.0.44.dev20260713+nightly
codegen_flags: <defaults>
</compile_context>

<pallas_src>
import functools

import jax
import jax.numpy as jnp
from jax import lax
from jax.experimental import pallas as pl
from jax.experimental.pallas import tpu as pltpu
from jax.experimental.pallas import tpu_sc as plsc

_NUM_FIELDS = 26
_FIELD_DIM = 40000
_BUCKET = 100000
_D = 64
_GK = 0.02
_QPR = 11
_B = 4096
_N = _B * _NUM_FIELDS


_TC_BLK = 2000


def _prune_body(qv_ref, qs_ref, rv_ref, rs_ref, qd_ref, rd_ref):
    for v_ref, s_ref, o_ref in ((qv_ref, qs_ref, qd_ref),
                                (rv_ref, rs_ref, rd_ref)):
        v = v_ref[...]
        t = _GK * jax.nn.sigmoid(s_ref[...])
        p = v - jnp.minimum(jnp.maximum(v, -t), t)
        o_ref[...] = jnp.concatenate([p, p], axis=1)


_prune_tables = pl.pallas_call(
    _prune_body,
    grid=(_BUCKET // _TC_BLK,),
    in_specs=[pl.BlockSpec((_TC_BLK, _D), lambda i: (i, 0))] * 4,
    out_specs=[pl.BlockSpec((_TC_BLK, 2 * _D), lambda i: (i, 0))] * 2,
    out_shape=[jax.ShapeDtypeStruct((_BUCKET, 2 * _D), jnp.float32)] * 2,
)


_NC = 2
_NS = 16
_NW = _NC * _NS
_L = 16
_BATCH_PER_W = _B // _NW
_ROWS_PER_W = _N // _NW
_NB = 4
_CHUNK = _NB * _NUM_FIELDS
_NCHUNKS = _BATCH_PER_W // _NB


def _sc_body(x_hbm, qd_hbm, rd_hbm, out_hbm,
             xall_v, idxq_v, idxr_v,
             qc_a, rc_a, o_a, qc_b, rc_b, o_b,
             sem_a, sem_b, sem_oa, sem_ob):
    wid = lax.axis_index("s") * _NC + lax.axis_index("c")
    base = wid * _ROWS_PER_W
    bbase = wid * _BATCH_PER_W

    pltpu.sync_copy(x_hbm.at[pl.ds(base, _ROWS_PER_W)], xall_v)
    lane = lax.iota(jnp.int32, _L)

    def idx_body(j, carry):
        sl = pl.ds(j * _L, _L)
        xv = xall_v[sl]
        col = lax.rem(base + j * _L + lane, _NUM_FIELDS)
        xn = xv + col * _FIELD_DIM
        idxq_v[sl] = lax.div(xn, _QPR)
        idxr_v[sl] = lax.rem(xn, _BUCKET)
        return carry

    lax.fori_loop(0, _ROWS_PER_W // _L, idx_body, 0, unroll=4)

    def fire_gather(c, qc_v, rc_v, sem):
        iq = idxq_v.at[pl.ds(c * _CHUNK, _CHUNK)]
        ir = idxr_v.at[pl.ds(c * _CHUNK, _CHUNK)]
        pltpu.async_copy(qd_hbm.at[iq], qc_v, sem)
        pltpu.async_copy(rd_hbm.at[ir], rc_v, sem)

    def wait_gather(c, qc_v, rc_v, sem):
        iq = idxq_v.at[pl.ds(c * _CHUNK, _CHUNK)]
        ir = idxr_v.at[pl.ds(c * _CHUNK, _CHUNK)]
        pltpu.make_async_copy(qd_hbm.at[iq], qc_v, sem).wait()
        pltpu.make_async_copy(rd_hbm.at[ir], rc_v, sem).wait()

    def compute(qc_v, rc_v, o_v):
        def b_body(b, carry):
            def f_body(f, carry2):
                i = b * _NUM_FIELDS + f
                for k in range(_D // _L):
                    sl = pl.ds(k * _L, _L)
                    o_v[b, f, sl] = qc_v[i, sl] + rc_v[i, sl]
                return carry2

            lax.fori_loop(0, _NUM_FIELDS, f_body, 0, unroll=2)
            return carry

        lax.fori_loop(0, _NB, b_body, 0)

    def store_slice(c, o_v, sem):
        dst = out_hbm.at[pl.ds(bbase + c * _NB, _NB)]
        return pltpu.make_async_copy(o_v, dst, sem)

    fire_gather(0, qc_a, rc_a, sem_a)
    fire_gather(1, qc_b, rc_b, sem_b)

    def step(g, carry):
        c_a = 2 * g
        c_b = c_a + 1

        wait_gather(c_a, qc_a, rc_a, sem_a)
        compute(qc_a, rc_a, o_a)

        @pl.when(g > 0)
        def _():
            store_slice(c_a - 2, o_a, sem_oa).wait()

        store_slice(c_a, o_a, sem_oa).start()

        @pl.when(g < (_NCHUNKS // 2 - 1))
        def _():
            fire_gather(c_a + 2, qc_a, rc_a, sem_a)

        wait_gather(c_b, qc_b, rc_b, sem_b)
        compute(qc_b, rc_b, o_b)

        @pl.when(g > 0)
        def _():
            store_slice(c_b - 2, o_b, sem_ob).wait()

        store_slice(c_b, o_b, sem_ob).start()

        @pl.when(g < (_NCHUNKS // 2 - 1))
        def _():
            fire_gather(c_b + 2, qc_b, rc_b, sem_b)

        return carry

    lax.fori_loop(0, _NCHUNKS // 2, step, 0)

    store_slice(_NCHUNKS - 2, o_a, sem_oa).wait()
    store_slice(_NCHUNKS - 1, o_b, sem_ob).wait()


_mesh = plsc.VectorSubcoreMesh(core_axis_name="c", subcore_axis_name="s")

_ce_kernel = functools.partial(
    pl.kernel,
    out_type=jax.ShapeDtypeStruct((_B, _NUM_FIELDS, _D), jnp.float32),
    mesh=_mesh,
    scratch_types=[
        pltpu.VMEM((_ROWS_PER_W,), jnp.int32),
        pltpu.VMEM((_ROWS_PER_W,), jnp.int32),
        pltpu.VMEM((_ROWS_PER_W,), jnp.int32),
        pltpu.VMEM((_CHUNK, 2 * _D), jnp.float32),
        pltpu.VMEM((_CHUNK, 2 * _D), jnp.float32),
        pltpu.VMEM((_NB, _NUM_FIELDS, _D), jnp.float32),
        pltpu.VMEM((_CHUNK, 2 * _D), jnp.float32),
        pltpu.VMEM((_CHUNK, 2 * _D), jnp.float32),
        pltpu.VMEM((_NB, _NUM_FIELDS, _D), jnp.float32),
        pltpu.SemaphoreType.DMA,
        pltpu.SemaphoreType.DMA,
        pltpu.SemaphoreType.DMA,
        pltpu.SemaphoreType.DMA,
    ],
    compiler_params=pltpu.CompilerParams(use_tc_tiling_on_sc=True),
)(_sc_body)


def kernel(x, Q_v, R_v, Q_s, R_s):
    qd, rd = _prune_tables(Q_v, Q_s, R_v, R_s)
    x_flat = x.reshape(_N)
    return _ce_kernel(x_flat, qd, rd)

# --- scband reference (transcript-rebuilt; emitter-appended) ---
"""Pipeline reference for scband-composition-embedding-27711128994141 (READ-ONLY COPY).

The authoritative reference and input builder live on the scoring server;
editing this copy changes nothing except your own understanding.
"""

import jax, jax.numpy as jnp
import numpy as np

FIELD_DIMS = np.array([40000] * 26, dtype=np.int64)
BUCKET = 100000
D = 64
GK = 0.02
FEATURE_NUM = int(FIELD_DIMS.sum())
Q_PER_ROW = int(np.ceil(FEATURE_NUM / BUCKET))  # 11
OFFSETS = np.concatenate([[0], np.cumsum(FIELD_DIMS)[:-1]]).astype(np.int64)


def setup_inputs(seed: int = 0) -> dict:
    key = jax.random.key(seed)
    k1, k2, k3, k4, k5 = jax.random.split(key, 5)
    x = jax.random.randint(k1, (4096, 26), 0, 40000, dtype=jnp.int32)
    a = float(np.sqrt(6.0 / (BUCKET + D)))  # xavier_uniform bound
    Q_v = jax.random.uniform(k2, (BUCKET, D), dtype=jnp.float32, minval=-a, maxval=a)
    R_v = jax.random.uniform(k3, (BUCKET, D), dtype=jnp.float32, minval=-a, maxval=a)
    # element-wise thresholds: uniform in [0,1), min-max scaled per row, times threshold_init=1.0
    Q_s = jax.random.uniform(k4, (BUCKET, D), dtype=jnp.float32)
    R_s = jax.random.uniform(k5, (BUCKET, D), dtype=jnp.float32)
    Q_s = (Q_s - Q_s.min(axis=1, keepdims=True)) / (Q_s.max(axis=1, keepdims=True) - Q_s.min(axis=1, keepdims=True))
    R_s = (R_s - R_s.min(axis=1, keepdims=True)) / (R_s.max(axis=1, keepdims=True) - R_s.min(axis=1, keepdims=True))
    return {"x": x, "Q_v": Q_v, "R_v": R_v, "Q_s": Q_s, "R_s": R_s}


def reference(x, Q_v, R_v, Q_s, R_s):
    offsets = jnp.asarray(OFFSETS, dtype=x.dtype)
    x_new = x + offsets[None, :]
    # apply_pruning: soft-thresholded sparse tables
    sparse_Q_v = jnp.sign(Q_v) * jax.nn.relu(jnp.abs(Q_v) - jax.nn.sigmoid(Q_s) * GK)
    sparse_R_v = jnp.sign(R_v) * jax.nn.relu(jnp.abs(R_v) - jax.nn.sigmoid(R_s) * GK)
    q_idx = x_new // Q_PER_ROW
    r_idx = x_new % BUCKET
    batch_Q_v = jnp.take(sparse_Q_v, q_idx, axis=0)
    batch_R_v = jnp.take(sparse_R_v, r_idx, axis=0)
    # Q_v_R_v_concat_method == 'add'
    return batch_R_v + batch_Q_v

if __name__ == "__main__":
    import jax
    _d = setup_inputs()
    print(jax.jit(kernel)(*tuple(_d.values())))

</pallas_src>

<mosaic_0001>
#map = affine_map<(d0, d1) -> (0)>
#map1 = affine_map<(d0, d1) -> (0, 0)>
#map2 = affine_map<(d0, d1) -> (0, 0, 0)>
module attributes {stable_mosaic.version = 14 : i64} {
  func.func @_sc_body(%arg0: i32, %arg1: i32, %arg2: memref<106496xi32, #tpu.memory_space<hbm>>, %arg3: memref<100000x128xf32, #tpu.memory_space<hbm>>, %arg4: memref<100000x128xf32, #tpu.memory_space<hbm>>, %arg5: memref<4096x26x64xf32, #tpu.memory_space<hbm>>, %arg6: memref<3328xi32, #tpu.memory_space<vmem>>, %arg7: memref<3328xi32, #tpu.memory_space<vmem>>, %arg8: memref<3328xi32, #tpu.memory_space<vmem>>, %arg9: memref<104x128xf32, #tpu.memory_space<vmem>>, %arg10: memref<104x128xf32, #tpu.memory_space<vmem>>, %arg11: memref<4x26x64xf32, #tpu.memory_space<vmem>>, %arg12: memref<104x128xf32, #tpu.memory_space<vmem>>, %arg13: memref<104x128xf32, #tpu.memory_space<vmem>>, %arg14: memref<4x26x64xf32, #tpu.memory_space<vmem>>, %arg15: memref<!tpu.dma_semaphore, #tpu.memory_space<semaphore_mem>>, %arg16: memref<!tpu.dma_semaphore, #tpu.memory_space<semaphore_mem>>, %arg17: memref<!tpu.dma_semaphore, #tpu.memory_space<semaphore_mem>>, %arg18: memref<!tpu.dma_semaphore, #tpu.memory_space<semaphore_mem>>) attributes {dimension_semantics = [#tpu.dimension_semantics<core_parallel>, #tpu.dimension_semantics<subcore_parallel>], iteration_bounds = array<i64: 2, 16>, scalar_prefetch = 0 : i64, scratch_operands = 13 : i64, tpu.core_type = #tpu.core_type<sc_vector_subcore>, window_params = [{transform_indices = #map}, {transform_indices = #map1}, {transform_indices = #map1}, {transform_indices = #map2}]} {
    %mul3A = arith.constant 2 : i32
    %mul3A_0 = arith.muli %arg1, %mul3A : i32
    %add3A = arith.addi %mul3A_0, %arg0 : i32
    %mul3A_1 = arith.constant 3328 : i32
    %mul3A_2 = arith.muli %add3A, %mul3A_1 : i32
    %mul3A_3 = arith.constant 128 : i32
    %mul3A_4 = arith.muli %add3A, %mul3A_3 : i32
    "tpu.region"() ({
      %run_scoped3A = tpu.sem_alloc : memref<!tpu.dma_semaphore, #tpu.memory_space<semaphore_mem>>
      %dma_start3A_50 = tpu.memref_slice %arg2[%mul3A_2] : memref<106496xi32, #tpu.memory_space<hbm>> -> memref<3328xi32, #tpu.memory_space<hbm>>
      %dma_start3A_51 = tpu.memref_slice %arg2[%mul3A_2] : memref<106496xi32, #tpu.memory_space<hbm>> -> memref<3328xi32, #tpu.memory_space<hbm>>
      tpu.enqueue_dma source(%dma_start3A_51 : memref<3328xi32, #tpu.memory_space<hbm>>) target(%arg6 : memref<3328xi32, #tpu.memory_space<vmem>>) target_semaphore(%run_scoped3A : memref<!tpu.dma_semaphore, #tpu.memory_space<semaphore_mem>>)
      %dma_wait3A_52 = tpu.memref_slice %arg2[%mul3A_2] : memref<106496xi32, #tpu.memory_space<hbm>> -> memref<3328xi32, #tpu.memory_space<hbm>>
      %dma_wait3A_53 = tpu.memref_slice %arg2[%mul3A_2] : memref<106496xi32, #tpu.memory_space<hbm>> -> memref<3328xi32, #tpu.memory_space<hbm>>
      tpu.wait_dma2 semaphore(%run_scoped3A : memref<!tpu.dma_semaphore, #tpu.memory_space<semaphore_mem>>) src(%dma_wait3A_53 : memref<3328xi32, #tpu.memory_space<hbm>>) dst(%arg6 : memref<3328xi32, #tpu.memory_space<vmem>>)
      tpu.yield
    }) : () -> ()
    %iota3A = tpu.iota {dimensions = array<i32: 0>} : vector<16xi32>
    %scan3A = arith.constant 0 : i32
    %scan3A_5 = arith.constant 0 : i32
    %scan3A_6 = arith.constant 208 : i32
    %scan3A_7 = arith.addi %scan3A_5, %scan3A_6 : i32
    %scan3A_8 = arith.constant 4 : i32
    scf.for %scan3A_50 = %scan3A_5 to %scan3A_7 step %scan3A_8  : i32 {
      %mul3A_51 = arith.constant 16 : i32
      %mul3A_52 = arith.muli %scan3A_50, %mul3A_51 : i32
      %get3A = arith.index_cast %mul3A_52 : i32 to index
      %get3A_53 = tpu.vector_load %arg6[%get3A] {strides = array<i32>} : memref<3328xi32, #tpu.memory_space<vmem>>, vector<16xi32>,
      %get3A_54 = vector.shape_cast %get3A_53 : vector<16xi32> to vector<16xi32>
      %mul3A_55 = arith.constant 16 : i32
      %mul3A_56 = arith.muli %scan3A_50, %mul3A_55 : i32
      %add3A_57 = arith.addi %mul3A_2, %mul3A_56 : i32
      %add3A_58 = vector.broadcast %add3A_57 : i32 to vector<16xi32>
      %add3A_59 = arith.addi %add3A_58, %iota3A : vector<16xi32>
      %rem3A = arith.constant 26 : i32
      %rem3A_60 = vector.broadcast %rem3A : i32 to vector<16xi32>
      %rem3A_61 = arith.remsi %add3A_59, %rem3A_60 : vector<16xi32>
      %mul3A_62 = arith.constant 40000 : i32
      %mul3A_63 = vector.broadcast %mul3A_62 : i32 to vector<16xi32>
      %mul3A_64 = arith.muli %rem3A_61, %mul3A_63 : vector<16xi32>
      %add3A_65 = arith.addi %get3A_54, %mul3A_64 : vector<16xi32>
      %div3A = arith.constant 11 : i32
      %div3A_66 = vector.broadcast %div3A : i32 to vector<16xi32>
      %div3A_67 = arith.divsi %add3A_65, %div3A_66 : vector<16xi32>
      %swap3A = arith.index_cast %mul3A_52 : i32 to index
      %swap3A_68 = tpu.vector_load %arg7[%swap3A] {strides = array<i32>} : memref<3328xi32, #tpu.memory_space<vmem>>, vector<16xi32>,
      %swap3A_69 = vector.shape_cast %swap3A_68 : vector<16xi32> to vector<16xi32>
      %swap3A_70 = vector.shape_cast %div3A_67 : vector<16xi32> to vector<16xi32>
      tpu.vector_store %arg7[%swap3A], %swap3A_70 {strides = array<i32>} : memref<3328xi32, #tpu.memory_space<vmem>>, vector<16xi32>,
      %rem3A_71 = arith.constant 100000 : i32
      %rem3A_72 = vector.broadcast %rem3A_71 : i32 to vector<16xi32>
      %rem3A_73 = arith.remsi %add3A_65, %rem3A_72 : vector<16xi32>
      %swap3A_74 = arith.index_cast %mul3A_52 : i32 to index
      %swap3A_75 = tpu.vector_load %arg8[%swap3A_74] {strides = array<i32>} : memref<3328xi32, #tpu.memory_space<vmem>>, vector<16xi32>,
      %swap3A_76 = vector.shape_cast %swap3A_75 : vector<16xi32> to vector<16xi32>
      %swap3A_77 = vector.shape_cast %rem3A_73 : vector<16xi32> to vector<16xi32>
      tpu.vector_store %arg8[%swap3A_74], %swap3A_77 {strides = array<i32>} : memref<3328xi32, #tpu.memory_space<vmem>>, vector<16xi32>,
      %scan3A_78 = arith.constant 1 : i32
      %scan3A_79 = arith.addi %scan3A_50, %scan3A_78 : i32
      %mul3A_80 = arith.constant 16 : i32
      %mul3A_81 = arith.muli %scan3A_79, %mul3A_80 : i32
      %get3A_82 = arith.index_cast %mul3A_81 : i32 to index
      %get3A_83 = tpu.vector_load %arg6[%get3A_82] {strides = array<i32>} : memref<3328xi32, #tpu.memory_space<vmem>>, vector<16xi32>,
      %get3A_84 = vector.shape_cast %get3A_83 : vector<16xi32> to vector<16xi32>
      %mul3A_85 = arith.constant 16 : i32
      %mul3A_86 = arith.muli %scan3A_79, %mul3A_85 : i32
      %add3A_87 = arith.addi %mul3A_2, %mul3A_86 : i32
      %add3A_88 = vector.broadcast %add3A_87 : i32 to vector<16xi32>
      %add3A_89 = arith.addi %add3A_88, %iota3A : vector<16xi32>
      %rem3A_90 = arith.constant 26 : i32
      %rem3A_91 = vector.broadcast %rem3A_90 : i32 to vector<16xi32>
      %rem3A_92 = arith.remsi %add3A_89, %rem3A_91 : vector<16xi32>
      %mul3A_93 = arith.constant 40000 : i32
      %mul3A_94 = vector.broadcast %mul3A_93 : i32 to vector<16xi32>
      %mul3A_95 = arith.muli %rem3A_92, %mul3A_94 : vector<16xi32>
      %add3A_96 = arith.addi %get3A_84, %mul3A_95 : vector<16xi32>
      %div3A_97 = arith.constant 11 : i32
      %div3A_98 = vector.broadcast %div3A_97 : i32 to vector<16xi32>
      %div3A_99 = arith.divsi %add3A_96, %div3A_98 : vector<16xi32>
      %swap3A_100 = arith.index_cast %mul3A_81 : i32 to index
      %swap3A_101 = tpu.vector_load %arg7[%swap3A_100] {strides = array<i32>} : memref<3328xi32, #tpu.memory_space<vmem>>, vector<16xi32>,
      %swap3A_102 = vector.shape_cast %swap3A_101 : vector<16xi32> to vector<16xi32>
      %swap3A_103 = vector.shape_cast %div3A_99 : vector<16xi32> to vector<16xi32>
      tpu.vector_store %arg7[%swap3A_100], %swap3A_103 {strides = array<i32>} : memref<3328xi32, #tpu.memory_space<vmem>>, vector<16xi32>,
      %rem3A_104 = arith.constant 100000 : i32
      %rem3A_105 = vector.broadcast %rem3A_104 : i32 to vector<16xi32>
      %rem3A_106 = arith.remsi %add3A_96, %rem3A_105 : vector<16xi32>
      %swap3A_107 = arith.index_cast %mul3A_81 : i32 to index
      %swap3A_108 = tpu.vector_load %arg8[%swap3A_107] {strides = array<i32>} : memref<3328xi32, #tpu.memory_space<vmem>>, vector<16xi32>,
      %swap3A_109 = vector.shape_cast %swap3A_108 : vector<16xi32> to vector<16xi32>
      %swap3A_110 = vector.shape_cast %rem3A_106 : vector<16xi32> to vector<16xi32>
      tpu.vector_store %arg8[%swap3A_107], %swap3A_110 {strides = array<i32>} : memref<3328xi32, #tpu.memory_space<vmem>>, vector<16xi32>,
      %scan3A_111 = arith.constant 2 : i32
      %scan3A_112 = arith.addi %scan3A_50, %scan3A_111 : i32
      %mul3A_113 = arith.constant 16 : i32
      %mul3A_114 = arith.muli %scan3A_112, %mul3A_113 : i32
      %get3A_115 = arith.index_cast %mul3A_114 : i32 to index
      %get3A_116 = tpu.vector_load %arg6[%get3A_115] {strides = array<i32>} : memref<3328xi32, #tpu.memory_space<vmem>>, vector<16xi32>,
      %get3A_117 = vector.shape_cast %get3A_116 : vector<16xi32> to vector<16xi32>
      %mul3A_118 = arith.constant 16 : i32
      %mul3A_119 = arith.muli %scan3A_112, %mul3A_118 : i32
      %add3A_120 = arith.addi %mul3A_2, %mul3A_119 : i32
      %add3A_121 = vector.broadcast %add3A_120 : i32 to vector<16xi32>
      %add3A_122 = arith.addi %add3A_121, %iota3A : vector<16xi32>
      %rem3A_123 = arith.constant 26 : i32
      %rem3A_124 = vector.broadcast %rem3A_123 : i32 to vector<16xi32>
      %rem3A_125 = arith.remsi %add3A_122, %rem3A_124 : vector<16xi32>
      %mul3A_126 = arith.constant 40000 : i32
      %mul3A_127 = vector.broadcast %mul3A_126 : i32 to vector<16xi32>
      %mul3A_128 = arith.muli %rem3A_125, %mul3A_127 : vector<16xi32>
      %add3A_129 = arith.addi %get3A_117, %mul3A_128 : vector<16xi32>
      %div3A_130 = arith.constant 11 : i32
      %div3A_131 = vector.broadcast %div3A_130 : i32 to vector<16xi32>
      %div3A_132 = arith.divsi %add3A_129, %div3A_131 : vector<16xi32>
      %swap3A_133 = arith.index_cast %mul3A_114 : i32 to index
      %swap3A_134 = tpu.vector_load %arg7[%swap3A_133] {strides = array<i32>} : memref<3328xi32, #tpu.memory_space<vmem>>, vector<16xi32>,
      %swap3A_135 = vector.shape_cast %swap3A_134 : vector<16xi32> to vector<16xi32>
      %swap3A_136 = vector.shape_cast %div3A_132 : vector<16xi32> to vector<16xi32>
      tpu.vector_store %arg7[%swap3A_133], %swap3A_136 {strides = array<i32>} : memref<3328xi32, #tpu.memory_space<vmem>>, vector<16xi32>,
      %rem3A_137 = arith.constant 100000 : i32
      %rem3A_138 = vector.broadcast %rem3A_137 : i32 to vector<16xi32>
      %rem3A_139 = arith.remsi %add3A_129, %rem3A_138 : vector<16xi32>
      %swap3A_140 = arith.index_cast %mul3A_114 : i32 to index
      %swap3A_141 = tpu.vector_load %arg8[%swap3A_140] {strides = array<i32>} : memref<3328xi32, #tpu.memory_space<vmem>>, vector<16xi32>,
      %swap3A_142 = vector.shape_cast %swap3A_141 : vector<16xi32> to vector<16xi32>
      %swap3A_143 = vector.shape_cast %rem3A_139 : vector<16xi32> to vector<16xi32>
      tpu.vector_store %arg8[%swap3A_140], %swap3A_143 {strides = array<i32>} : memref<3328xi32, #tpu.memory_space<vmem>>, vector<16xi32>,
      %scan3A_144 = arith.constant 3 : i32
      %scan3A_145 = arith.addi %scan3A_50, %scan3A_144 : i32
      %mul3A_146 = arith.constant 16 : i32
      %mul3A_147 = arith.muli %scan3A_145, %mul3A_146 : i32
      %get3A_148 = arith.index_cast %mul3A_147 : i32 to index
      %get3A_149 = tpu.vector_load %arg6[%get3A_148] {strides = array<i32>} : memref<3328xi32, #tpu.memory_space<vmem>>, vector<16xi32>,
      %get3A_150 = vector.shape_cast %get3A_149 : vector<16xi32> to vector<16xi32>
      %mul3A_151 = arith.constant 16 : i32
      %mul3A_152 = arith.muli %scan3A_145, %mul3A_151 : i32
      %add3A_153 = arith.addi %mul3A_2, %mul3A_152 : i32
      %add3A_154 = vector.broadcast %add3A_153 : i32 to vector<16xi32>
      %add3A_155 = arith.addi %add3A_154, %iota3A : vector<16xi32>
      %rem3A_156 = arith.constant 26 : i32
      %rem3A_157 = vector.broadcast %rem3A_156 : i32 to vector<16xi32>
      %rem3A_158 = arith.remsi %add3A_155, %rem3A_157 : vector<16xi32>
      %mul3A_159 = arith.constant 40000 : i32
      %mul3A_160 = vector.broadcast %mul3A_159 : i32 to vector<16xi32>
      %mul3A_161 = arith.muli %rem3A_158, %mul3A_160 : vector<16xi32>
      %add3A_162 = arith.addi %get3A_150, %mul3A_161 : vector<16xi32>
      %div3A_163 = arith.constant 11 : i32
      %div3A_164 = vector.broadcast %div3A_163 : i32 to vector<16xi32>
      %div3A_165 = arith.divsi %add3A_162, %div3A_164 : vector<16xi32>
      %swap3A_166 = arith.index_cast %mul3A_147 : i32 to index
      %swap3A_167 = tpu.vector_load %arg7[%swap3A_166] {strides = array<i32>} : memref<3328xi32, #tpu.memory_space<vmem>>, vector<16xi32>,
      %swap3A_168 = vector.shape_cast %swap3A_167 : vector<16xi32> to vector<16xi32>
      %swap3A_169 = vector.shape_cast %div3A_165 : vector<16xi32> to vector<16xi32>
      tpu.vector_store %arg7[%swap3A_166], %swap3A_169 {strides = array<i32>} : memref<3328xi32, #tpu.memory_space<vmem>>, vector<16xi32>,
      %rem3A_170 = arith.constant 100000 : i32
      %rem3A_171 = vector.broadcast %rem3A_170 : i32 to vector<16xi32>
      %rem3A_172 = arith.remsi %add3A_162, %rem3A_171 : vector<16xi32>
      %swap3A_173 = arith.index_cast %mul3A_147 : i32 to index
      %swap3A_174 = tpu.vector_load %arg8[%swap3A_173] {strides = array<i32>} : memref<3328xi32, #tpu.memory_space<vmem>>, vector<16xi32>,
      %swap3A_175 = vector.shape_cast %swap3A_174 : vector<16xi32> to vector<16xi32>
      %swap3A_176 = vector.shape_cast %rem3A_172 : vector<16xi32> to vector<16xi32>
      tpu.vector_store %arg8[%swap3A_173], %swap3A_176 {strides = array<i32>} : memref<3328xi32, #tpu.memory_space<vmem>>, vector<16xi32>,
    }
    %scan3A_9 = arith.constant 208 : i32
    %dma_start3A = arith.constant 0 : i32
    %dma_start3A_10 = tpu.memref_slice %arg7[%dma_start3A] : memref<3328xi32, #tpu.memory_space<vmem>> -> memref<104xi32, #tpu.memory_space<vmem>>
    %dma_start3A_11 = arith.constant 0 : i32
    %dma_start3A_12 = arith.constant 0 : i32
    %dma_start3A_13 = tpu.memref_slice %arg3[%dma_start3A_11, %dma_start3A_12] : memref<100000x128xf32, #tpu.memory_space<hbm>> -> memref<100000x128xf32, #tpu.memory_space<hbm>>
    tpu.enqueue_indirect_dma source(%dma_start3A_13 : memref<100000x128xf32, #tpu.memory_space<hbm>>) target(%arg9 : memref<104x128xf32, #tpu.memory_space<vmem>>) offsets(%dma_start3A_10 : memref<104xi32, #tpu.memory_space<vmem>>) semaphore(%arg15 : memref<!tpu.dma_semaphore, #tpu.memory_space<semaphore_mem>>)
    %dma_start3A_14 = arith.constant 0 : i32
    %dma_start3A_15 = tpu.memref_slice %arg8[%dma_start3A_14] : memref<3328xi32, #tpu.memory_space<vmem>> -> memref<104xi32, #tpu.memory_space<vmem>>
    %dma_start3A_16 = arith.constant 0 : i32
    %dma_start3A_17 = arith.constant 0 : i32
    %dma_start3A_18 = tpu.memref_slice %arg4[%dma_start3A_16, %dma_start3A_17] : memref<100000x128xf32, #tpu.memory_space<hbm>> -> memref<100000x128xf32, #tpu.memory_space<hbm>>
    tpu.enqueue_indirect_dma source(%dma_start3A_18 : memref<100000x128xf32, #tpu.memory_space<hbm>>) target(%arg10 : memref<104x128xf32, #tpu.memory_space<vmem>>) offsets(%dma_start3A_15 : memref<104xi32, #tpu.memory_space<vmem>>) semaphore(%arg15 : memref<!tpu.dma_semaphore, #tpu.memory_space<semaphore_mem>>)
    %dma_start3A_19 = arith.constant 104 : i32
    %dma_start3A_20 = tpu.memref_slice %arg7[%dma_start3A_19] : memref<3328xi32, #tpu.memory_space<vmem>> -> memref<104xi32, #tpu.memory_space<vmem>>
    %dma_start3A_21 = arith.constant 0 : i32
    %dma_start3A_22 = arith.constant 0 : i32
    %dma_start3A_23 = tpu.memref_slice %arg3[%dma_start3A_21, %dma_start3A_22] : memref<100000x128xf32, #tpu.memory_space<hbm>> -> memref<100000x128xf32, #tpu.memory_space<hbm>>
    tpu.enqueue_indirect_dma source(%dma_start3A_23 : memref<100000x128xf32, #tpu.memory_space<hbm>>) target(%arg12 : memref<104x128xf32, #tpu.memory_space<vmem>>) offsets(%dma_start3A_20 : memref<104xi32, #tpu.memory_space<vmem>>) semaphore(%arg16 : memref<!tpu.dma_semaphore, #tpu.memory_space<semaphore_mem>>)
    %dma_start3A_24 = arith.constant 104 : i32
    %dma_start3A_25 = tpu.memref_slice %arg8[%dma_start3A_24] : memref<3328xi32, #tpu.memory_space<vmem>> -> memref<104xi32, #tpu.memory_space<vmem>>
    %dma_start3A_26 = arith.constant 0 : i32
    %dma_start3A_27 = arith.constant 0 : i32
    %dma_start3A_28 = tpu.memref_slice %arg4[%dma_start3A_26, %dma_start3A_27] : memref<100000x128xf32, #tpu.memory_space<hbm>> -> memref<100000x128xf32, #tpu.memory_space<hbm>>
    tpu.enqueue_indirect_dma source(%dma_start3A_28 : memref<100000x128xf32, #tpu.memory_space<hbm>>) target(%arg13 : memref<104x128xf32, #tpu.memory_space<vmem>>) offsets(%dma_start3A_25 : memref<104xi32, #tpu.memory_space<vmem>>) semaphore(%arg16 : memref<!tpu.dma_semaphore, #tpu.memory_space<semaphore_mem>>)
    %scan3A_29 = arith.constant 0 : i32
    %scan3A_30 = arith.constant 0 : i32
    %scan3A_31 = arith.constant 16 : i32
    %scan3A_32 = arith.addi %scan3A_30, %scan3A_31 : i32
    %scan3A_33 = arith.constant 1 : i32
    scf.for %scan3A_50 = %scan3A_30 to %scan3A_32 step %scan3A_33  : i32 {
      %mul3A_51 = arith.constant 2 : i32
      %mul3A_52 = arith.muli %mul3A_51, %scan3A_50 : i32
      %add3A_53 = arith.constant 1 : i32
      %add3A_54 = arith.addi %mul3A_52, %add3A_53 : i32
      %mul3A_55 = arith.constant 104 : i32
      %mul3A_56 = arith.muli %mul3A_52, %mul3A_55 : i32
      %mul3A_57 = arith.constant 104 : i32
      %mul3A_58 = arith.muli %mul3A_52, %mul3A_57 : i32
      %dma_wait3A_59 = tpu.memref_slice %arg7[%mul3A_56] : memref<3328xi32, #tpu.memory_space<vmem>> -> memref<104xi32, #tpu.memory_space<vmem>>
      %dma_wait3A_60 = arith.constant 0 : i32
      %dma_wait3A_61 = arith.constant 0 : i32
      %dma_wait3A_62 = tpu.memref_slice %arg3[%dma_wait3A_60, %dma_wait3A_61] : memref<100000x128xf32, #tpu.memory_space<hbm>> -> memref<100000x128xf32, #tpu.memory_space<hbm>>
      tpu.wait_indirect_dma semaphore(%arg15 : memref<!tpu.dma_semaphore, #tpu.memory_space<semaphore_mem>>) src(%dma_wait3A_62 : memref<100000x128xf32, #tpu.memory_space<hbm>>) dst(%arg9 : memref<104x128xf32, #tpu.memory_space<vmem>>)
      %dma_wait3A_63 = tpu.memref_slice %arg8[%mul3A_58] : memref<3328xi32, #tpu.memory_space<vmem>> -> memref<104xi32, #tpu.memory_space<vmem>>
      %dma_wait3A_64 = arith.constant 0 : i32
      %dma_wait3A_65 = arith.constant 0 : i32
      %dma_wait3A_66 = tpu.memref_slice %arg4[%dma_wait3A_64, %dma_wait3A_65] : memref<100000x128xf32, #tpu.memory_space<hbm>> -> memref<100000x128xf32, #tpu.memory_space<hbm>>
      tpu.wait_indirect_dma semaphore(%arg15 : memref<!tpu.dma_semaphore, #tpu.memory_space<semaphore_mem>>) src(%dma_wait3A_66 : memref<100000x128xf32, #tpu.memory_space<hbm>>) dst(%arg10 : memref<104x128xf32, #tpu.memory_space<vmem>>)
      %scan3A_67 = arith.constant 0 : i32
      %scan3A_68 = arith.constant 0 : i32
      %scan3A_69 = arith.constant 4 : i32
      %scan3A_70 = arith.addi %scan3A_68, %scan3A_69 : i32
      %scan3A_71 = arith.constant 1 : i32
      scf.for %scan3A_125 = %scan3A_68 to %scan3A_70 step %scan3A_71  : i32 {
        %scan3A_126 = arith.constant 0 : i32
        %scan3A_127 = arith.constant 0 : i32
        %scan3A_128 = arith.constant 26 : i32
        %scan3A_129 = arith.addi %scan3A_127, %scan3A_128 : i32
        %scan3A_130 = arith.constant 2 : i32
        scf.for %scan3A_132 = %scan3A_127 to %scan3A_129 step %scan3A_130  : i32 {
          %mul3A_133 = arith.constant 26 : i32
          %mul3A_134 = arith.muli %scan3A_125, %mul3A_133 : i32
          %add3A_135 = arith.addi %mul3A_134, %scan3A_132 : i32
          %get3A = arith.index_cast %add3A_135 : i32 to index
          %get3A_136 = arith.constant 0 : index
          %get3A_137 = tpu.vector_load %arg9[%get3A, %get3A_136] {strides = array<i32>} : memref<104x128xf32, #tpu.memory_space<vmem>>, vector<1x16xf32>,
          %get3A_138 = vector.shape_cast %get3A_137 : vector<1x16xf32> to vector<16xf32>
          %get3A_139 = arith.index_cast %add3A_135 : i32 to index
          %get3A_140 = arith.constant 0 : index
          %get3A_141 = tpu.vector_load %arg10[%get3A_139, %get3A_140] {strides = array<i32>} : memref<104x128xf32, #tpu.memory_space<vmem>>, vector<1x16xf32>,
          %get3A_142 = vector.shape_cast %get3A_141 : vector<1x16xf32> to vector<16xf32>
          %add3A_143 = arith.addf %get3A_138, %get3A_142 : vector<16xf32>
          %swap3A = arith.index_cast %scan3A_125 : i32 to index
          %swap3A_144 = arith.index_cast %scan3A_132 : i32 to index
          %swap3A_145 = arith.constant 0 : index
          %swap3A_146 = tpu.vector_load %arg11[%swap3A, %swap3A_144, %swap3A_145] {strides = array<i32>} : memref<4x26x64xf32, #tpu.memory_space<vmem>>, vector<1x1x16xf32>,
          %swap3A_147 = vector.shape_cast %swap3A_146 : vector<1x1x16xf32> to vector<16xf32>
          %swap3A_148 = vector.shape_cast %add3A_143 : vector<16xf32> to vector<1x1x16xf32>
          tpu.vector_store %arg11[%swap3A, %swap3A_144, %swap3A_145], %swap3A_148 {strides = array<i32>} : memref<4x26x64xf32, #tpu.memory_space<vmem>>, vector<1x1x16xf32>,
          %get3A_149 = arith.index_cast %add3A_135 : i32 to index
          %get3A_150 = arith.constant 16 : index
          %get3A_151 = tpu.vector_load %arg9[%get3A_149, %get3A_150] {strides = array<i32>} : memref<104x128xf32, #tpu.memory_space<vmem>>, vector<1x16xf32>,
          %get3A_152 = vector.shape_cast %get3A_151 : vector<1x16xf32> to vector<16xf32>
          %get3A_153 = arith.index_cast %add3A_135 : i32 to index
          %get3A_154 = arith.constant 16 : index
          %get3A_155 = tpu.vector_load %arg10[%get3A_153, %get3A_154] {strides = array<i32>} : memref<104x128xf32, #tpu.memory_space<vmem>>, vector<1x16xf32>,
          %get3A_156 = vector.shape_cast %get3A_155 : vector<1x16xf32> to vector<16xf32>
          %add3A_157 = arith.addf %get3A_152, %get3A_156 : vector<16xf32>
          %swap3A_158 = arith.index_cast %scan3A_125 : i32 to index
          %swap3A_159 = arith.index_cast %scan3A_132 : i32 to index
          %swap3A_160 = arith.constant 16 : index
          %swap3A_161 = tpu.vector_load %arg11[%swap3A_158, %swap3A_159, %swap3A_160] {strides = array<i32>} : memref<4x26x64xf32, #tpu.memory_space<vmem>>, vector<1x1x16xf32>,
          %swap3A_162 = vector.shape_cast %swap3A_161 : vector<1x1x16xf32> to vector<16xf32>
          %swap3A_163 = vector.shape_cast %add3A_157 : vector<16xf32> to vector<1x1x16xf32>
          tpu.vector_store %arg11[%swap3A_158, %swap3A_159, %swap3A_160], %swap3A_163 {strides = array<i32>} : memref<4x26x64xf32, #tpu.memory_space<vmem>>, vector<1x1x16xf32>,
          %get3A_164 = arith.index_cast %add3A_135 : i32 to index
          %get3A_165 = arith.constant 32 : index
          %get3A_166 = tpu.vector_load %arg9[%get3A_164, %get3A_165] {strides = array<i32>} : memref<104x128xf32, #tpu.memory_space<vmem>>, vector<1x16xf32>,
          %get3A_167 = vector.shape_cast %get3A_166 : vector<1x16xf32> to vector<16xf32>
          %get3A_168 = arith.index_cast %add3A_135 : i32 to index
          %get3A_169 = arith.constant 32 : index
          %get3A_170 = tpu.vector_load %arg10[%get3A_168, %get3A_169] {strides = array<i32>} : memref<104x128xf32, #tpu.memory_space<vmem>>, vector<1x16xf32>,
          %get3A_171 = vector.shape_cast %get3A_170 : vector<1x16xf32> to vector<16xf32>
          %add3A_172 = arith.addf %get3A_167, %get3A_171 : vector<16xf32>
          %swap3A_173 = arith.index_cast %scan3A_125 : i32 to index
          %swap3A_174 = arith.index_cast %scan3A_132 : i32 to index
          %swap3A_175 = arith.constant 32 : index
          %swap3A_176 = tpu.vector_load %arg11[%swap3A_173, %swap3A_174, %swap3A_175] {strides = array<i32>} : memref<4x26x64xf32, #tpu.memory_space<vmem>>, vector<1x1x16xf32>,
          %swap3A_177 = vector.shape_cast %swap3A_176 : vector<1x1x16xf32> to vector<16xf32>
          %swap3A_178 = vector.shape_cast %add3A_172 : vector<16xf32> to vector<1x1x16xf32>
          tpu.vector_store %arg11[%swap3A_173, %swap3A_174, %swap3A_175], %swap3A_178 {strides = array<i32>} : memref<4x26x64xf32, #tpu.memory_space<vmem>>, vector<1x1x16xf32>,
          %get3A_179 = arith.index_cast %add3A_135 : i32 to index
          %get3A_180 = arith.constant 48 : index
          %get3A_181 = tpu.vector_load %arg9[%get3A_179, %get3A_180] {strides = array<i32>} : memref<104x128xf32, #tpu.memory_space<vmem>>, vector<1x16xf32>,
          %get3A_182 = vector.shape_cast %get3A_181 : vector<1x16xf32> to vector<16xf32>
          %get3A_183 = arith.index_cast %add3A_135 : i32 to index
          %get3A_184 = arith.constant 48 : index
          %get3A_185 = tpu.vector_load %arg10[%get3A_183, %get3A_184] {strides = array<i32>} : memref<104x128xf32, #tpu.memory_space<vmem>>, vector<1x16xf32>,
          %get3A_186 = vector.shape_cast %get3A_185 : vector<1x16xf32> to vector<16xf32>
          %add3A_187 = arith.addf %get3A_182, %get3A_186 : vector<16xf32>
          %swap3A_188 = arith.index_cast %scan3A_125 : i32 to index
          %swap3A_189 = arith.index_cast %scan3A_132 : i32 to index
          %swap3A_190 = arith.constant 48 : index
          %swap3A_191 = tpu.vector_load %arg11[%swap3A_188, %swap3A_189, %swap3A_190] {strides = array<i32>} : memref<4x26x64xf32, #tpu.memory_space<vmem>>, vector<1x1x16xf32>,
          %swap3A_192 = vector.shape_cast %swap3A_191 : vector<1x1x16xf32> to vector<16xf32>
          %swap3A_193 = vector.shape_cast %add3A_187 : vector<16xf32> to vector<1x1x16xf32>
          tpu.vector_store %arg11[%swap3A_188, %swap3A_189, %swap3A_190], %swap3A_193 {strides = array<i32>} : memref<4x26x64xf32, #tpu.memory_space<vmem>>, vector<1x1x16xf32>,
          %scan3A_194 = arith.constant 1 : i32
          %scan3A_195 = arith.addi %scan3A_132, %scan3A_194 : i32
          %mul3A_196 = arith.constant 26 : i32
          %mul3A_197 = arith.muli %scan3A_125, %mul3A_196 : i32
          %add3A_198 = arith.addi %mul3A_197, %scan3A_195 : i32
          %get3A_199 = arith.index_cast %add3A_198 : i32 to index
          %get3A_200 = arith.constant 0 : index
          %get3A_201 = tpu.vector_load %arg9[%get3A_199, %get3A_200] {strides = array<i32>} : memref<104x128xf32, #tpu.memory_space<vmem>>, vector<1x16xf32>,
          %get3A_202 = vector.shape_cast %get3A_201 : vector<1x16xf32> to vector<16xf32>
          %get3A_203 = arith.index_cast %add3A_198 : i32 to index
          %get3A_204 = arith.constant 0 : index
          %get3A_205 = tpu.vector_load %arg10[%get3A_203, %get3A_204] {strides = array<i32>} : memref<104x128xf32, #tpu.memory_space<vmem>>, vector<1x16xf32>,
          %get3A_206 = vector.shape_cast %get3A_205 : vector<1x16xf32> to vector<16xf32>
          %add3A_207 = arith.addf %get3A_202, %get3A_206 : vector<16xf32>
          %swap3A_208 = arith.index_cast %scan3A_125 : i32 to index
          %swap3A_209 = arith.index_cast %scan3A_195 : i32 to index
          %swap3A_210 = arith.constant 0 : index
          %swap3A_211 = tpu.vector_load %arg11[%swap3A_208, %swap3A_209, %swap3A_210] {strides = array<i32>} : memref<4x26x64xf32, #tpu.memory_space<vmem>>, vector<1x1x16xf32>,
          %swap3A_212 = vector.shape_cast %swap3A_211 : vector<1x1x16xf32> to vector<16xf32>
          %swap3A_213 = vector.shape_cast %add3A_207 : vector<16xf32> to vector<1x1x16xf32>
          tpu.vector_store %arg11[%swap3A_208, %swap3A_209, %swap3A_210], %swap3A_213 {strides = array<i32>} : memref<4x26x64xf32, #tpu.memory_space<vmem>>, vector<1x1x16xf32>,
          %get3A_214 = arith.index_cast %add3A_198 : i32 to index
          %get3A_215 = arith.constant 16 : index
          %get3A_216 = tpu.vector_load %arg9[%get3A_214, %get3A_215] {strides = array<i32>} : memref<104x128xf32, #tpu.memory_space<vmem>>, vector<1x16xf32>,
          %get3A_217 = vector.shape_cast %get3A_216 : vector<1x16xf32> to vector<16xf32>
          %get3A_218 = arith.index_cast %add3A_198 : i32 to index
          %get3A_219 = arith.constant 16 : index
          %get3A_220 = tpu.vector_load %arg10[%get3A_218, %get3A_219] {strides = array<i32>} : memref<104x128xf32, #tpu.memory_space<vmem>>, vector<1x16xf32>,
          %get3A_221 = vector.shape_cast %get3A_220 : vector<1x16xf32> to vector<16xf32>
          %add3A_222 = arith.addf %get3A_217, %get3A_221 : vector<16xf32>
          %swap3A_223 = arith.index_cast %scan3A_125 : i32 to index
          %swap3A_224 = arith.index_cast %scan3A_195 : i32 to index
          %swap3A_225 = arith.constant 16 : index
          %swap3A_226 = tpu.vector_load %arg11[%swap3A_223, %swap3A_224, %swap3A_225] {strides = array<i32>} : memref<4x26x64xf32, #tpu.memory_space<vmem>>, vector<1x1x16xf32>,
          %swap3A_227 = vector.shape_cast %swap3A_226 : vector<1x1x16xf32> to vector<16xf32>
          %swap3A_228 = vector.shape_cast %add3A_222 : vector<16xf32> to vector<1x1x16xf32>
          tpu.vector_store %arg11[%swap3A_223, %swap3A_224, %swap3A_225], %swap3A_228 {strides = array<i32>} : memref<4x26x64xf32, #tpu.memory_space<vmem>>, vector<1x1x16xf32>,
          %get3A_229 = arith.index_cast %add3A_198 : i32 to index
          %get3A_230 = arith.constant 32 : index
          %get3A_231 = tpu.vector_load %arg9[%get3A_229, %get3A_230] {strides = array<i32>} : memref<104x128xf32, #tpu.memory_space<vmem>>, vector<1x16xf32>,
          %get3A_232 = vector.shape_cast %get3A_231 : vector<1x16xf32> to vector<16xf32>
          %get3A_233 = arith.index_cast %add3A_198 : i32 to index
          %get3A_234 = arith.constant 32 : index
          %get3A_235 = tpu.vector_load %arg10[%get3A_233, %get3A_234] {strides = array<i32>} : memref<104x128xf32, #tpu.memory_space<vmem>>, vector<1x16xf32>,
          %get3A_236 = vector.shape_cast %get3A_235 : vector<1x16xf32> to vector<16xf32>
          %add3A_237 = arith.addf %get3A_232, %get3A_236 : vector<16xf32>
          %swap3A_238 = arith.index_cast %scan3A_125 : i32 to index
          %swap3A_239 = arith.index_cast %scan3A_195 : i32 to index
          %swap3A_240 = arith.constant 32 : index
          %swap3A_241 = tpu.vector_load %arg11[%swap3A_238, %swap3A_239, %swap3A_240] {strides = array<i32>} : memref<4x26x64xf32, #tpu.memory_space<vmem>>, vector<1x1x16xf32>,
          %swap3A_242 = vector.shape_cast %swap3A_241 : vector<1x1x16xf32> to vector<16xf32>
          %swap3A_243 = vector.shape_cast %add3A_237 : vector<16xf32> to vector<1x1x16xf32>
          tpu.vector_store %arg11[%swap3A_238, %swap3A_239, %swap3A_240], %swap3A_243 {strides = array<i32>} : memref<4x26x64xf32, #tpu.memory_space<vmem>>, vector<1x1x16xf32>,
          %get3A_244 = arith.index_cast %add3A_198 : i32 to index
          %get3A_245 = arith.constant 48 : index
          %get3A_246 = tpu.vector_load %arg9[%get3A_244, %get3A_245] {strides = array<i32>} : memref<104x128xf32, #tpu.memory_space<vmem>>, vector<1x16xf32>,
          %get3A_247 = vector.shape_cast %get3A_246 : vector<1x16xf32> to vector<16xf32>
          %get3A_248 = arith.index_cast %add3A_198 : i32 to index
          %get3A_249 = arith.constant 48 : index
          %get3A_250 = tpu.vector_load %arg10[%get3A_248, %get3A_249] {strides = array<i32>} : memref<104x128xf32, #tpu.memory_space<vmem>>, vector<1x16xf32>,
          %get3A_251 = vector.shape_cast %get3A_250 : vector<1x16xf32> to vector<16xf32>
          %add3A_252 = arith.addf %get3A_247, %get3A_251 : vector<16xf32>
          %swap3A_253 = arith.index_cast %scan3A_125 : i32 to index
          %swap3A_254 = arith.index_cast %scan3A_195 : i32 to index
          %swap3A_255 = arith.constant 48 : index
          %swap3A_256 = tpu.vector_load %arg11[%swap3A_253, %swap3A_254, %swap3A_255] {strides = array<i32>} : memref<4x26x64xf32, #tpu.memory_space<vmem>>, vector<1x1x16xf32>,
          %swap3A_257 = vector.shape_cast %swap3A_256 : vector<1x1x16xf32> to vector<16xf32>
          %swap3A_258 = vector.shape_cast %add3A_252 : vector<16xf32> to vector<1x1x16xf32>
          tpu.vector_store %arg11[%swap3A_253, %swap3A_254, %swap3A_255], %swap3A_258 {strides = array<i32>} : memref<4x26x64xf32, #tpu.memory_space<vmem>>, vector<1x1x16xf32>,
        }
        %scan3A_131 = arith.constant 26 : i32
      }
      %scan3A_72 = arith.constant 4 : i32
      %gt3A = arith.constant 0 : i32
      %gt3A_73 = arith.cmpi sgt, %scan3A_50, %gt3A : i32
      %convert_element_type3A = arith.extui %gt3A_73 : i1 to i32
      %cond3A = arith.constant 0 : i32
      %cond3A_74 = arith.cmpi ne, %convert_element_type3A, %cond3A : i32
      scf.if %cond3A_74 {
        %sub3A = arith.constant 2 : i32
        %sub3A_125 = arith.subi %mul3A_52, %sub3A : i32
        %mul3A_126 = arith.constant 4 : i32
        %mul3A_127 = arith.muli %sub3A_125, %mul3A_126 : i32
        %add3A_128 = arith.addi %mul3A_4, %mul3A_127 : i32
        %dma_wait3A_129 = arith.constant 0 : i32
        %dma_wait3A_130 = arith.constant 0 : i32
        %dma_wait3A_131 = tpu.memref_slice %arg5[%add3A_128, %dma_wait3A_129, %dma_wait3A_130] : memref<4096x26x64xf32, #tpu.memory_space<hbm>> -> memref<4x26x64xf32, #tpu.memory_space<hbm>>
        %dma_wait3A_132 = arith.constant 0 : i32
        %dma_wait3A_133 = arith.constant 0 : i32
        %dma_wait3A_134 = tpu.memref_slice %arg5[%add3A_128, %dma_wait3A_132, %dma_wait3A_133] : memref<4096x26x64xf32, #tpu.memory_space<hbm>> -> memref<4x26x64xf32, #tpu.memory_space<hbm>>
        tpu.wait_dma2 semaphore(%arg17 : memref<!tpu.dma_semaphore, #tpu.memory_space<semaphore_mem>>) src(%arg11 : memref<4x26x64xf32, #tpu.memory_space<vmem>>) dst(%dma_wait3A_134 : memref<4x26x64xf32, #tpu.memory_space<hbm>>)
      } else {
      }
      %mul3A_75 = arith.constant 4 : i32
      %mul3A_76 = arith.muli %mul3A_52, %mul3A_75 : i32
      %add3A_77 = arith.addi %mul3A_4, %mul3A_76 : i32
      %dma_start3A_78 = arith.constant 0 : i32
      %dma_start3A_79 = arith.constant 0 : i32
      %dma_start3A_80 = tpu.memref_slice %arg5[%add3A_77, %dma_start3A_78, %dma_start3A_79] : memref<4096x26x64xf32, #tpu.memory_space<hbm>> -> memref<4x26x64xf32, #tpu.memory_space<hbm>>
      %dma_start3A_81 = arith.constant 0 : i32
      %dma_start3A_82 = arith.constant 0 : i32
      %dma_start3A_83 = tpu.memref_slice %arg5[%add3A_77, %dma_start3A_81, %dma_start3A_82] : memref<4096x26x64xf32, #tpu.memory_space<hbm>> -> memref<4x26x64xf32, #tpu.memory_space<hbm>>
      tpu.enqueue_dma source(%arg11 : memref<4x26x64xf32, #tpu.memory_space<vmem>>) target(%dma_start3A_83 : memref<4x26x64xf32, #tpu.memory_space<hbm>>) target_semaphore(%arg17 : memref<!tpu.dma_semaphore, #tpu.memory_space<semaphore_mem>>)
      %lt3A = arith.constant 15 : i32
      %lt3A_84 = arith.cmpi slt, %scan3A_50, %lt3A : i32
      %convert_element_type3A_85 = arith.extui %lt3A_84 : i1 to i32
      %cond3A_86 = arith.constant 0 : i32
      %cond3A_87 = arith.cmpi ne, %convert_element_type3A_85, %cond3A_86 : i32
      scf.if %cond3A_87 {
        %add3A_125 = arith.constant 2 : i32
        %add3A_126 = arith.addi %mul3A_52, %add3A_125 : i32
        %mul3A_127 = arith.constant 104 : i32
        %mul3A_128 = arith.muli %add3A_126, %mul3A_127 : i32
        %mul3A_129 = arith.constant 104 : i32
        %mul3A_130 = arith.muli %add3A_126, %mul3A_129 : i32
        %dma_start3A_131 = tpu.memref_slice %arg7[%mul3A_128] : memref<3328xi32, #tpu.memory_space<vmem>> -> memref<104xi32, #tpu.memory_space<vmem>>
        %dma_start3A_132 = arith.constant 0 : i32
        %dma_start3A_133 = arith.constant 0 : i32
        %dma_start3A_134 = tpu.memref_slice %arg3[%dma_start3A_132, %dma_start3A_133] : memref<100000x128xf32, #tpu.memory_space<hbm>> -> memref<100000x128xf32, #tpu.memory_space<hbm>>
        tpu.enqueue_indirect_dma source(%dma_start3A_134 : memref<100000x128xf32, #tpu.memory_space<hbm>>) target(%arg9 : memref<104x128xf32, #tpu.memory_space<vmem>>) offsets(%dma_start3A_131 : memref<104xi32, #tpu.memory_space<vmem>>) semaphore(%arg15 : memref<!tpu.dma_semaphore, #tpu.memory_space<semaphore_mem>>)
        %dma_start3A_135 = tpu.memref_slice %arg8[%mul3A_130] : memref<3328xi32, #tpu.memory_space<vmem>> -> memref<104xi32, #tpu.memory_space<vmem>>
        %dma_start3A_136 = arith.constant 0 : i32
        %dma_start3A_137 = arith.constant 0 : i32
        %dma_start3A_138 = tpu.memref_slice %arg4[%dma_start3A_136, %dma_start3A_137] : memref<100000x128xf32, #tpu.memory_space<hbm>> -> memref<100000x128xf32, #tpu.memory_space<hbm>>
        tpu.enqueue_indirect_dma source(%dma_start3A_138 : memref<100000x128xf32, #tpu.memory_space<hbm>>) target(%arg10 : memref<104x128xf32, #tpu.memory_space<vmem>>) offsets(%dma_start3A_135 : memref<104xi32, #tpu.memory_space<vmem>>) semaphore(%arg15 : memref<!tpu.dma_semaphore, #tpu.memory_space<semaphore_mem>>)
      } else {
      }
      %mul3A_88 = arith.constant 104 : i32
      %mul3A_89 = arith.muli %add3A_54, %mul3A_88 : i32
      %mul3A_90 = arith.constant 104 : i32
      %mul3A_91 = arith.muli %add3A_54, %mul3A_90 : i32
      %dma_wait3A_92 = tpu.memref_slice %arg7[%mul3A_89] : memref<3328xi32, #tpu.memory_space<vmem>> -> memref<104xi32, #tpu.memory_space<vmem>>
      %dma_wait3A_93 = arith.constant 0 : i32
      %dma_wait3A_94 = arith.constant 0 : i32
      %dma_wait3A_95 = tpu.memref_slice %arg3[%dma_wait3A_93, %dma_wait3A_94] : memref<100000x128xf32, #tpu.memory_space<hbm>> -> memref<100000x128xf32, #tpu.memory_space<hbm>>
      tpu.wait_indirect_dma semaphore(%arg16 : memref<!tpu.dma_semaphore, #tpu.memory_space<semaphore_mem>>) src(%dma_wait3A_95 : memref<100000x128xf32, #tpu.memory_space<hbm>>) dst(%arg12 : memref<104x128xf32, #tpu.memory_space<vmem>>)
      %dma_wait3A_96 = tpu.memref_slice %arg8[%mul3A_91] : memref<3328xi32, #tpu.memory_space<vmem>> -> memref<104xi32, #tpu.memory_space<vmem>>
      %dma_wait3A_97 = arith.constant 0 : i32
      %dma_wait3A_98 = arith.constant 0 : i32
      %dma_wait3A_99 = tpu.memref_slice %arg4[%dma_wait3A_97, %dma_wait3A_98] : memref<100000x128xf32, #tpu.memory_space<hbm>> -> memref<100000x128xf32, #tpu.memory_space<hbm>>
      tpu.wait_indirect_dma semaphore(%arg16 : memref<!tpu.dma_semaphore, #tpu.memory_space<semaphore_mem>>) src(%dma_wait3A_99 : memref<100000x128xf32, #tpu.memory_space<hbm>>) dst(%arg13 : memref<104x128xf32, #tpu.memory_space<vmem>>)
      %scan3A_100 = arith.constant 0 : i32
      %scan3A_101 = arith.constant 0 : i32
      %scan3A_102 = arith.constant 4 : i32
      %scan3A_103 = arith.addi %scan3A_101, %scan3A_102 : i32
      %scan3A_104 = arith.constant 1 : i32
      scf.for %scan3A_125 = %scan3A_101 to %scan3A_103 step %scan3A_104  : i32 {
        %scan3A_126 = arith.constant 0 : i32
        %scan3A_127 = arith.constant 0 : i32
        %scan3A_128 = arith.constant 26 : i32
        %scan3A_129 = arith.addi %scan3A_127, %scan3A_128 : i32
        %scan3A_130 = arith.constant 2 : i32
        scf.for %scan3A_132 = %scan3A_127 to %scan3A_129 step %scan3A_130  : i32 {
          %mul3A_133 = arith.constant 26 : i32
          %mul3A_134 = arith.muli %scan3A_125, %mul3A_133 : i32
          %add3A_135 = arith.addi %mul3A_134, %scan3A_132 : i32
          %get3A = arith.index_cast %add3A_135 : i32 to index
          %get3A_136 = arith.constant 0 : index
          %get3A_137 = tpu.vector_load %arg12[%get3A, %get3A_136] {strides = array<i32>} : memref<104x128xf32, #tpu.memory_space<vmem>>, vector<1x16xf32>,
          %get3A_138 = vector.shape_cast %get3A_137 : vector<1x16xf32> to vector<16xf32>
          %get3A_139 = arith.index_cast %add3A_135 : i32 to index
          %get3A_140 = arith.constant 0 : index
          %get3A_141 = tpu.vector_load %arg13[%get3A_139, %get3A_140] {strides = array<i32>} : memref<104x128xf32, #tpu.memory_space<vmem>>, vector<1x16xf32>,
          %get3A_142 = vector.shape_cast %get3A_141 : vector<1x16xf32> to vector<16xf32>
          %add3A_143 = arith.addf %get3A_138, %get3A_142 : vector<16xf32>
          %swap3A = arith.index_cast %scan3A_125 : i32 to index
          %swap3A_144 = arith.index_cast %scan3A_132 : i32 to index
          %swap3A_145 = arith.constant 0 : index
          %swap3A_146 = tpu.vector_load %arg14[%swap3A, %swap3A_144, %swap3A_145] {strides = array<i32>} : memref<4x26x64xf32, #tpu.memory_space<vmem>>, vector<1x1x16xf32>,
          %swap3A_147 = vector.shape_cast %swap3A_146 : vector<1x1x16xf32> to vector<16xf32>
          %swap3A_148 = vector.shape_cast %add3A_143 : vector<16xf32> to vector<1x1x16xf32>
          tpu.vector_store %arg14[%swap3A, %swap3A_144, %swap3A_145], %swap3A_148 {strides = array<i32>} : memref<4x26x64xf32, #tpu.memory_space<vmem>>, vector<1x1x16xf32>,
          %get3A_149 = arith.index_cast %add3A_135 : i32 to index
          %get3A_150 = arith.constant 16 : index
          %get3A_151 = tpu.vector_load %arg12[%get3A_149, %get3A_150] {strides = array<i32>} : memref<104x128xf32, #tpu.memory_space<vmem>>, vector<1x16xf32>,
          %get3A_152 = vector.shape_cast %get3A_151 : vector<1x16xf32> to vector<16xf32>
          %get3A_153 = arith.index_cast %add3A_135 : i32 to index
          %get3A_154 = arith.constant 16 : index
          %get3A_155 = tpu.vector_load %arg13[%get3A_153, %get3A_154] {strides = array<i32>} : memref<104x128xf32, #tpu.memory_space<vmem>>, vector<1x16xf32>,
          %get3A_156 = vector.shape_cast %get3A_155 : vector<1x16xf32> to vector<16xf32>
          %add3A_157 = arith.addf %get3A_152, %get3A_156 : vector<16xf32>
          %swap3A_158 = arith.index_cast %scan3A_125 : i32 to index
          %swap3A_159 = arith.index_cast %scan3A_132 : i32 to index
          %swap3A_160 = arith.constant 16 : index
          %swap3A_161 = tpu.vector_load %arg14[%swap3A_158, %swap3A_159, %swap3A_160] {strides = array<i32>} : memref<4x26x64xf32, #tpu.memory_space<vmem>>, vector<1x1x16xf32>,
          %swap3A_162 = vector.shape_cast %swap3A_161 : vector<1x1x16xf32> to vector<16xf32>
          %swap3A_163 = vector.shape_cast %add3A_157 : vector<16xf32> to vector<1x1x16xf32>
          tpu.vector_store %arg14[%swap3A_158, %swap3A_159, %swap3A_160], %swap3A_163 {strides = array<i32>} : memref<4x26x64xf32, #tpu.memory_space<vmem>>, vector<1x1x16xf32>,
          %get3A_164 = arith.index_cast %add3A_135 : i32 to index
          %get3A_165 = arith.constant 32 : index
          %get3A_166 = tpu.vector_load %arg12[%get3A_164, %get3A_165] {strides = array<i32>} : memref<104x128xf32, #tpu.memory_space<vmem>>, vector<1x16xf32>,
          %get3A_167 = vector.shape_cast %get3A_166 : vector<1x16xf32> to vector<16xf32>
          %get3A_168 = arith.index_cast %add3A_135 : i32 to index
          %get3A_169 = arith.constant 32 : index
          %get3A_170 = tpu.vector_load %arg13[%get3A_168, %get3A_169] {strides = array<i32>} : memref<104x128xf32, #tpu.memory_space<vmem>>, vector<1x16xf32>,
          %get3A_171 = vector.shape_cast %get3A_170 : vector<1x16xf32> to vector<16xf32>
          %add3A_172 = arith.addf %get3A_167, %get3A_171 : vector<16xf32>
          %swap3A_173 = arith.index_cast %scan3A_125 : i32 to index
          %swap3A_174 = arith.index_cast %scan3A_132 : i32 to index
          %swap3A_175 = arith.constant 32 : index
          %swap3A_176 = tpu.vector_load %arg14[%swap3A_173, %swap3A_174, %swap3A_175] {strides = array<i32>} : memref<4x26x64xf32, #tpu.memory_space<vmem>>, vector<1x1x16xf32>,
          %swap3A_177 = vector.shape_cast %swap3A_176 : vector<1x1x16xf32> to vector<16xf32>
          %swap3A_178 = vector.shape_cast %add3A_172 : vector<16xf32> to vector<1x1x16xf32>
          tpu.vector_store %arg14[%swap3A_173, %swap3A_174, %swap3A_175], %swap3A_178 {strides = array<i32>} : memref<4x26x64xf32, #tpu.memory_space<vmem>>, vector<1x1x16xf32>,
          %get3A_179 = arith.index_cast %add3A_135 : i32 to index
          %get3A_180 = arith.constant 48 : index
          %get3A_181 = tpu.vector_load %arg12[%get3A_179, %get3A_180] {strides = array<i32>} : memref<104x128xf32, #tpu.memory_space<vmem>>, vector<1x16xf32>,
          %get3A_182 = vector.shape_cast %get3A_181 : vector<1x16xf32> to vector<16xf32>
          %get3A_183 = arith.index_cast %add3A_135 : i32 to index
          %get3A_184 = arith.constant 48 : index
          %get3A_185 = tpu.vector_load %arg13[%get3A_183, %get3A_184] {strides = array<i32>} : memref<104x128xf32, #tpu.memory_space<vmem>>, vector<1x16xf32>,
          %get3A_186 = vector.shape_cast %get3A_185 : vector<1x16xf32> to vector<16xf32>
          %add3A_187 = arith.addf %get3A_182, %get3A_186 : vector<16xf32>
          %swap3A_188 = arith.index_cast %scan3A_125 : i32 to index
          %swap3A_189 = arith.index_cast %scan3A_132 : i32 to index
          %swap3A_190 = arith.constant 48 : index
          %swap3A_191 = tpu.vector_load %arg14[%swap3A_188, %swap3A_189, %swap3A_190] {strides = array<i32>} : memref<4x26x64xf32, #tpu.memory_space<vmem>>, vector<1x1x16xf32>,
          %swap3A_192 = vector.shape_cast %swap3A_191 : vector<1x1x16xf32> to vector<16xf32>
          %swap3A_193 = vector.shape_cast %add3A_187 : vector<16xf32> to vector<1x1x16xf32>
          tpu.vector_store %arg14[%swap3A_188, %swap3A_189, %swap3A_190], %swap3A_193 {strides = array<i32>} : memref<4x26x64xf32, #tpu.memory_space<vmem>>, vector<1x1x16xf32>,
          %scan3A_194 = arith.constant 1 : i32
          %scan3A_195 = arith.addi %scan3A_132, %scan3A_194 : i32
          %mul3A_196 = arith.constant 26 : i32
          %mul3A_197 = arith.muli %scan3A_125, %mul3A_196 : i32
          %add3A_198 = arith.addi %mul3A_197, %scan3A_195 : i32
          %get3A_199 = arith.index_cast %add3A_198 : i32 to index
          %get3A_200 = arith.constant 0 : index
          %get3A_201 = tpu.vector_load %arg12[%get3A_199, %get3A_200] {strides = array<i32>} : memref<104x128xf32, #tpu.memory_space<vmem>>, vector<1x16xf32>,
          %get3A_202 = vector.shape_cast %get3A_201 : vector<1x16xf32> to vector<16xf32>
          %get3A_203 = arith.index_cast %add3A_198 : i32 to index
          %get3A_204 = arith.constant 0 : index
          %get3A_205 = tpu.vector_load %arg13[%get3A_203, %get3A_204] {strides = array<i32>} : memref<104x128xf32, #tpu.memory_space<vmem>>, vector<1x16xf32>,
          %get3A_206 = vector.shape_cast %get3A_205 : vector<1x16xf32> to vector<16xf32>
          %add3A_207 = arith.addf %get3A_202, %get3A_206 : vector<16xf32>
          %swap3A_208 = arith.index_cast %scan3A_125 : i32 to index
          %swap3A_209 = arith.index_cast %scan3A_195 : i32 to index
          %swap3A_210 = arith.constant 0 : index
          %swap3A_211 = tpu.vector_load %arg14[%swap3A_208, %swap3A_209, %swap3A_210] {strides = array<i32>} : memref<4x26x64xf32, #tpu.memory_space<vmem>>, vector<1x1x16xf32>,
          %swap3A_212 = vector.shape_cast %swap3A_211 : vector<1x1x16xf32> to vector<16xf32>
          %swap3A_213 = vector.shape_cast %add3A_207 : vector<16xf32> to vector<1x1x16xf32>
          tpu.vector_store %arg14[%swap3A_208, %swap3A_209, %swap3A_210], %swap3A_213 {strides = array<i32>} : memref<4x26x64xf32, #tpu.memory_space<vmem>>, vector<1x1x16xf32>,
          %get3A_214 = arith.index_cast %add3A_198 : i32 to index
          %get3A_215 = arith.constant 16 : index
          %get3A_216 = tpu.vector_load %arg12[%get3A_214, %get3A_215] {strides = array<i32>} : memref<104x128xf32, #tpu.memory_space<vmem>>, vector<1x16xf32>,
          %get3A_217 = vector.shape_cast %get3A_216 : vector<1x16xf32> to vector<16xf32>
          %get3A_218 = arith.index_cast %add3A_198 : i32 to index
          %get3A_219 = arith.constant 16 : index
          %get3A_220 = tpu.vector_load %arg13[%get3A_218, %get3A_219] {strides = array<i32>} : memref<104x128xf32, #tpu.memory_space<vmem>>, vector<1x16xf32>,
          %get3A_221 = vector.shape_cast %get3A_220 : vector<1x16xf32> to vector<16xf32>
          %add3A_222 = arith.addf %get3A_217, %get3A_221 : vector<16xf32>
          %swap3A_223 = arith.index_cast %scan3A_125 : i32 to index
          %swap3A_224 = arith.index_cast %scan3A_195 : i32 to index
          %swap3A_225 = arith.constant 16 : index
          %swap3A_226 = tpu.vector_load %arg14[%swap3A_223, %swap3A_224, %swap3A_225] {strides = array<i32>} : memref<4x26x64xf32, #tpu.memory_space<vmem>>, vector<1x1x16xf32>,
          %swap3A_227 = vector.shape_cast %swap3A_226 : vector<1x1x16xf32> to vector<16xf32>
          %swap3A_228 = vector.shape_cast %add3A_222 : vector<16xf32> to vector<1x1x16xf32>
          tpu.vector_store %arg14[%swap3A_223, %swap3A_224, %swap3A_225], %swap3A_228 {strides = array<i32>} : memref<4x26x64xf32, #tpu.memory_space<vmem>>, vector<1x1x16xf32>,
          %get3A_229 = arith.index_cast %add3A_198 : i32 to index
          %get3A_230 = arith.constant 32 : index
          %get3A_231 = tpu.vector_load %arg12[%get3A_229, %get3A_230] {strides = array<i32>} : memref<104x128xf32, #tpu.memory_space<vmem>>, vector<1x16xf32>,
          %get3A_232 = vector.shape_cast %get3A_231 : vector<1x16xf32> to vector<16xf32>
          %get3A_233 = arith.index_cast %add3A_198 : i32 to index
          %get3A_234 = arith.constant 32 : index
          %get3A_235 = tpu.vector_load %arg13[%get3A_233, %get3A_234] {strides = array<i32>} : memref<104x128xf32, #tpu.memory_space<vmem>>, vector<1x16xf32>,
          %get3A_236 = vector.shape_cast %get3A_235 : vector<1x16xf32> to vector<16xf32>
          %add3A_237 = arith.addf %get3A_232, %get3A_236 : vector<16xf32>
          %swap3A_238 = arith.index_cast %scan3A_125 : i32 to index
          %swap3A_239 = arith.index_cast %scan3A_195 : i32 to index
          %swap3A_240 = arith.constant 32 : index
          %swap3A_241 = tpu.vector_load %arg14[%swap3A_238, %swap3A_239, %swap3A_240] {strides = array<i32>} : memref<4x26x64xf32, #tpu.memory_space<vmem>>, vector<1x1x16xf32>,
          %swap3A_242 = vector.shape_cast %swap3A_241 : vector<1x1x16xf32> to vector<16xf32>
          %swap3A_243 = vector.shape_cast %add3A_237 : vector<16xf32> to vector<1x1x16xf32>
          tpu.vector_store %arg14[%swap3A_238, %swap3A_239, %swap3A_240], %swap3A_243 {strides = array<i32>} : memref<4x26x64xf32, #tpu.memory_space<vmem>>, vector<1x1x16xf32>,
          %get3A_244 = arith.index_cast %add3A_198 : i32 to index
          %get3A_245 = arith.constant 48 : index
          %get3A_246 = tpu.vector_load %arg12[%get3A_244, %get3A_245] {strides = array<i32>} : memref<104x128xf32, #tpu.memory_space<vmem>>, vector<1x16xf32>,
          %get3A_247 = vector.shape_cast %get3A_246 : vector<1x16xf32> to vector<16xf32>
          %get3A_248 = arith.index_cast %add3A_198 : i32 to index
          %get3A_249 = arith.constant 48 : index
          %get3A_250 = tpu.vector_load %arg13[%get3A_248, %get3A_249] {strides = array<i32>} : memref<104x128xf32, #tpu.memory_space<vmem>>, vector<1x16xf32>,
          %get3A_251 = vector.shape_cast %get3A_250 : vector<1x16xf32> to vector<16xf32>
          %add3A_252 = arith.addf %get3A_247, %get3A_251 : vector<16xf32>
          %swap3A_253 = arith.index_cast %scan3A_125 : i32 to index
          %swap3A_254 = arith.index_cast %scan3A_195 : i32 to index
          %swap3A_255 = arith.constant 48 : index
          %swap3A_256 = tpu.vector_load %arg14[%swap3A_253, %swap3A_254, %swap3A_255] {strides = array<i32>} : memref<4x26x64xf32, #tpu.memory_space<vmem>>, vector<1x1x16xf32>,
          %swap3A_257 = vector.shape_cast %swap3A_256 : vector<1x1x16xf32> to vector<16xf32>
          %swap3A_258 = vector.shape_cast %add3A_252 : vector<16xf32> to vector<1x1x16xf32>
          tpu.vector_store %arg14[%swap3A_253, %swap3A_254, %swap3A_255], %swap3A_258 {strides = array<i32>} : memref<4x26x64xf32, #tpu.memory_space<vmem>>, vector<1x1x16xf32>,
        }
        %scan3A_131 = arith.constant 26 : i32
      }
      %scan3A_105 = arith.constant 4 : i32
      %gt3A_106 = arith.constant 0 : i32
      %gt3A_107 = arith.cmpi sgt, %scan3A_50, %gt3A_106 : i32
      %convert_element_type3A_108 = arith.extui %gt3A_107 : i1 to i32
      %cond3A_109 = arith.constant 0 : i32
      %cond3A_110 = arith.cmpi ne, %convert_element_type3A_108, %cond3A_109 : i32
      scf.if %cond3A_110 {
        %sub3A = arith.constant 2 : i32
        %sub3A_125 = arith.subi %add3A_54, %sub3A : i32
        %mul3A_126 = arith.constant 4 : i32
        %mul3A_127 = arith.muli %sub3A_125, %mul3A_126 : i32
        %add3A_128 = arith.addi %mul3A_4, %mul3A_127 : i32
        %dma_wait3A_129 = arith.constant 0 : i32
        %dma_wait3A_130 = arith.constant 0 : i32
        %dma_wait3A_131 = tpu.memref_slice %arg5[%add3A_128, %dma_wait3A_129, %dma_wait3A_130] : memref<4096x26x64xf32, #tpu.memory_space<hbm>> -> memref<4x26x64xf32, #tpu.memory_space<hbm>>
        %dma_wait3A_132 = arith.constant 0 : i32
        %dma_wait3A_133 = arith.constant 0 : i32
        %dma_wait3A_134 = tpu.memref_slice %arg5[%add3A_128, %dma_wait3A_132, %dma_wait3A_133] : memref<4096x26x64xf32, #tpu.memory_space<hbm>> -> memref<4x26x64xf32, #tpu.memory_space<hbm>>
        tpu.wait_dma2 semaphore(%arg18 : memref<!tpu.dma_semaphore, #tpu.memory_space<semaphore_mem>>) src(%arg14 : memref<4x26x64xf32, #tpu.memory_space<vmem>>) dst(%dma_wait3A_134 : memref<4x26x64xf32, #tpu.memory_space<hbm>>)
      } else {
      }
      %mul3A_111 = arith.constant 4 : i32
      %mul3A_112 = arith.muli %add3A_54, %mul3A_111 : i32
      %add3A_113 = arith.addi %mul3A_4, %mul3A_112 : i32
      %dma_start3A_114 = arith.constant 0 : i32
      %dma_start3A_115 = arith.constant 0 : i32
      %dma_start3A_116 = tpu.memref_slice %arg5[%add3A_113, %dma_start3A_114, %dma_start3A_115] : memref<4096x26x64xf32, #tpu.memory_space<hbm>> -> memref<4x26x64xf32, #tpu.memory_space<hbm>>
      %dma_start3A_117 = arith.constant 0 : i32
      %dma_start3A_118 = arith.constant 0 : i32
      %dma_start3A_119 = tpu.memref_slice %arg5[%add3A_113, %dma_start3A_117, %dma_start3A_118] : memref<4096x26x64xf32, #tpu.memory_space<hbm>> -> memref<4x26x64xf32, #tpu.memory_space<hbm>>
      tpu.enqueue_dma source(%arg14 : memref<4x26x64xf32, #tpu.memory_space<vmem>>) target(%dma_start3A_119 : memref<4x26x64xf32, #tpu.memory_space<hbm>>) target_semaphore(%arg18 : memref<!tpu.dma_semaphore, #tpu.memory_space<semaphore_mem>>)
      %lt3A_120 = arith.constant 15 : i32
      %lt3A_121 = arith.cmpi slt, %scan3A_50, %lt3A_120 : i32
      %convert_element_type3A_122 = arith.extui %lt3A_121 : i1 to i32
      %cond3A_123 = arith.constant 0 : i32
      %cond3A_124 = arith.cmpi ne, %convert_element_type3A_122, %cond3A_123 : i32
      scf.if %cond3A_124 {
        %add3A_125 = arith.constant 2 : i32
        %add3A_126 = arith.addi %add3A_54, %add3A_125 : i32
        %mul3A_127 = arith.constant 104 : i32
        %mul3A_128 = arith.muli %add3A_126, %mul3A_127 : i32
        %mul3A_129 = arith.constant 104 : i32
        %mul3A_130 = arith.muli %add3A_126, %mul3A_129 : i32
        %dma_start3A_131 = tpu.memref_slice %arg7[%mul3A_128] : memref<3328xi32, #tpu.memory_space<vmem>> -> memref<104xi32, #tpu.memory_space<vmem>>
        %dma_start3A_132 = arith.constant 0 : i32
        %dma_start3A_133 = arith.constant 0 : i32
        %dma_start3A_134 = tpu.memref_slice %arg3[%dma_start3A_132, %dma_start3A_133] : memref<100000x128xf32, #tpu.memory_space<hbm>> -> memref<100000x128xf32, #tpu.memory_space<hbm>>
        tpu.enqueue_indirect_dma source(%dma_start3A_134 : memref<100000x128xf32, #tpu.memory_space<hbm>>) target(%arg12 : memref<104x128xf32, #tpu.memory_space<vmem>>) offsets(%dma_start3A_131 : memref<104xi32, #tpu.memory_space<vmem>>) semaphore(%arg16 : memref<!tpu.dma_semaphore, #tpu.memory_space<semaphore_mem>>)
        %dma_start3A_135 = tpu.memref_slice %arg8[%mul3A_130] : memref<3328xi32, #tpu.memory_space<vmem>> -> memref<104xi32, #tpu.memory_space<vmem>>
        %dma_start3A_136 = arith.constant 0 : i32
        %dma_start3A_137 = arith.constant 0 : i32
        %dma_start3A_138 = tpu.memref_slice %arg4[%dma_start3A_136, %dma_start3A_137] : memref<100000x128xf32, #tpu.memory_space<hbm>> -> memref<100000x128xf32, #tpu.memory_space<hbm>>
        tpu.enqueue_indirect_dma source(%dma_start3A_138 : memref<100000x128xf32, #tpu.memory_space<hbm>>) target(%arg13 : memref<104x128xf32, #tpu.memory_space<vmem>>) offsets(%dma_start3A_135 : memref<104xi32, #tpu.memory_space<vmem>>) semaphore(%arg16 : memref<!tpu.dma_semaphore, #tpu.memory_space<semaphore_mem>>)
      } else {
      }
    }
    %scan3A_34 = arith.constant 16 : i32
    %add3A_35 = arith.constant 120 : i32
    %add3A_36 = arith.addi %mul3A_4, %add3A_35 : i32
    %dma_wait3A = arith.constant 0 : i32
    %dma_wait3A_37 = arith.constant 0 : i32
    %dma_wait3A_38 = tpu.memref_slice %arg5[%add3A_36, %dma_wait3A, %dma_wait3A_37] : memref<4096x26x64xf32, #tpu.memory_space<hbm>> -> memref<4x26x64xf32, #tpu.memory_space<hbm>>
    %dma_wait3A_39 = arith.constant 0 : i32
    %dma_wait3A_40 = arith.constant 0 : i32
    %dma_wait3A_41 = tpu.memref_slice %arg5[%add3A_36, %dma_wait3A_39, %dma_wait3A_40] : memref<4096x26x64xf32, #tpu.memory_space<hbm>> -> memref<4x26x64xf32, #tpu.memory_space<hbm>>
    tpu.wait_dma2 semaphore(%arg17 : memref<!tpu.dma_semaphore, #tpu.memory_space<semaphore_mem>>) src(%arg11 : memref<4x26x64xf32, #tpu.memory_space<vmem>>) dst(%dma_wait3A_41 : memref<4x26x64xf32, #tpu.memory_space<hbm>>)
    %add3A_42 = arith.constant 124 : i32
    %add3A_43 = arith.addi %mul3A_4, %add3A_42 : i32
    %dma_wait3A_44 = arith.constant 0 : i32
    %dma_wait3A_45 = arith.constant 0 : i32
    %dma_wait3A_46 = tpu.memref_slice %arg5[%add3A_43, %dma_wait3A_44, %dma_wait3A_45] : memref<4096x26x64xf32, #tpu.memory_space<hbm>> -> memref<4x26x64xf32, #tpu.memory_space<hbm>>
    %dma_wait3A_47 = arith.constant 0 : i32
    %dma_wait3A_48 = arith.constant 0 : i32
    %dma_wait3A_49 = tpu.memref_slice %arg5[%add3A_43, %dma_wait3A_47, %dma_wait3A_48] : memref<4096x26x64xf32, #tpu.memory_space<hbm>> -> memref<4x26x64xf32, #tpu.memory_space<hbm>>
    tpu.wait_dma2 semaphore(%arg18 : memref<!tpu.dma_semaphore, #tpu.memory_space<semaphore_mem>>) src(%arg14 : memref<4x26x64xf32, #tpu.memory_space<vmem>>) dst(%dma_wait3A_49 : memref<4x26x64xf32, #tpu.memory_space<hbm>>)
    return
  }
}

module attributes {stable_mosaic.version = 14 : i64} {
  func.func @_prune_body(%arg0: i32, %arg1: memref<2000x64xf32, #tpu.memory_space<vmem>>, %arg2: memref<2000x64xf32, #tpu.memory_space<vmem>>, %arg3: memref<2000x64xf32, #tpu.memory_space<vmem>>, %arg4: memref<2000x64xf32, #tpu.memory_space<vmem>>, %arg5: memref<2000x128xf32, #tpu.memory_space<vmem>>, %arg6: memref<2000x128xf32, #tpu.memory_space<vmem>>) attributes {dimension_semantics = [#tpu.dimension_semantics<arbitrary>], iteration_bounds = array<i64: 50>, scalar_prefetch = 0 : i64, scratch_operands = 0 : i64, tpu.core_type = #tpu.core_type<tc>, window_params = [{transform_indices = @transform_0, window_bounds = array<i64: 2000, 64>}, {transform_indices = @transform_1, window_bounds = array<i64: 2000, 64>}, {transform_indices = @transform_2, window_bounds = array<i64: 2000, 64>}, {transform_indices = @transform_3, window_bounds = array<i64: 2000, 64>}, {transform_indices = @transform_4, window_bounds = array<i64: 2000, 128>}, {transform_indices = @transform_5, window_bounds = array<i64: 2000, 128>}]} {
    %get3A = arith.constant 0 : index
    %get3A_0 = arith.constant 0 : index
    %get3A_1 = vector.load %arg1[%get3A, %get3A_0] : memref<2000x64xf32, #tpu.memory_space<vmem>>, vector<2000x64xf32>
    %get3A_2 = arith.constant 0 : index
    %get3A_3 = arith.constant 0 : index
    %get3A_4 = vector.load %arg2[%get3A_2, %get3A_3] : memref<2000x64xf32, #tpu.memory_space<vmem>>, vector<2000x64xf32>
    %logistic3A = arith.negf %get3A_4 : vector<2000x64xf32>
    %logistic3A_5 = math.exp %logistic3A : vector<2000x64xf32>
    %logistic3A_6 = arith.constant 1.000000e+00 : f32
    %logistic3A_7 = vector.broadcast %logistic3A_6 : f32 to vector<2000x64xf32>
    %logistic3A_8 = arith.addf %logistic3A_7, %logistic3A_5 : vector<2000x64xf32>
    %logistic3A_9 = arith.divf %logistic3A_7, %logistic3A_8 : vector<2000x64xf32>
    %mul3A = arith.constant 2.000000e-02 : f32
    %mul3A_10 = vector.broadcast %mul3A : f32 to vector<2000x64xf32>
    %mul3A_11 = arith.mulf %mul3A_10, %logistic3A_9 : vector<2000x64xf32>
    %neg3A = arith.constant 0.000000e+00 : f32
    %neg3A_12 = vector.broadcast %neg3A : f32 to vector<2000x64xf32>
    %neg3A_13 = arith.subf %neg3A_12, %mul3A_11 : vector<2000x64xf32>
    %max3A = arith.maximumf %get3A_1, %neg3A_13 : vector<2000x64xf32>
    %min3A = arith.minimumf %max3A, %mul3A_11 : vector<2000x64xf32>
    %sub3A = arith.subf %get3A_1, %min3A : vector<2000x64xf32>
    %concatenate3A = tpu.concatenate %sub3A, %sub3A in 1 : vector<2000x64xf32>, vector<2000x64xf32> -> vector<2000x128xf32>
    %swap3A = arith.constant 0 : index
    %swap3A_14 = arith.constant 0 : index
    %swap3A_15 = vector.load %arg5[%swap3A, %swap3A_14] : memref<2000x128xf32, #tpu.memory_space<vmem>>, vector<2000x128xf32>
    tpu.vector_store %arg5[%swap3A, %swap3A_14], %concatenate3A {strides = array<i32>} : memref<2000x128xf32, #tpu.memory_space<vmem>>, vector<2000x128xf32>,
    %get3A_16 = arith.constant 0 : index
    %get3A_17 = arith.constant 0 : index
    %get3A_18 = vector.load %arg3[%get3A_16, %get3A_17] : memref<2000x64xf32, #tpu.memory_space<vmem>>, vector<2000x64xf32>
    %get3A_19 = arith.constant 0 : index
    %get3A_20 = arith.constant 0 : index
    %get3A_21 = vector.load %arg4[%get3A_19, %get3A_20] : memref<2000x64xf32, #tpu.memory_space<vmem>>, vector<2000x64xf32>
    %logistic3A_22 = arith.negf %get3A_21 : vector<2000x64xf32>
    %logistic3A_23 = math.exp %logistic3A_22 : vector<2000x64xf32>
    %logistic3A_24 = arith.constant 1.000000e+00 : f32
    %logistic3A_25 = vector.broadcast %logistic3A_24 : f32 to vector<2000x64xf32>
    %logistic3A_26 = arith.addf %logistic3A_25, %logistic3A_23 : vector<2000x64xf32>
    %logistic3A_27 = arith.divf %logistic3A_25, %logistic3A_26 : vector<2000x64xf32>
    %mul3A_28 = arith.constant 2.000000e-02 : f32
    %mul3A_29 = vector.broadcast %mul3A_28 : f32 to vector<2000x64xf32>
    %mul3A_30 = arith.mulf %mul3A_29, %logistic3A_27 : vector<2000x64xf32>
    %neg3A_31 = arith.constant 0.000000e+00 : f32
    %neg3A_32 = vector.broadcast %neg3A_31 : f32 to vector<2000x64xf32>
    %neg3A_33 = arith.subf %neg3A_32, %mul3A_30 : vector<2000x64xf32>
    %max3A_34 = arith.maximumf %get3A_18, %neg3A_33 : vector<2000x64xf32>
    %min3A_35 = arith.minimumf %max3A_34, %mul3A_30 : vector<2000x64xf32>
    %sub3A_36 = arith.subf %get3A_18, %min3A_35 : vector<2000x64xf32>
    %concatenate3A_37 = tpu.concatenate %sub3A_36, %sub3A_36 in 1 : vector<2000x64xf32>, vector<2000x64xf32> -> vector<2000x128xf32>
    %swap3A_38 = arith.constant 0 : index
    %swap3A_39 = arith.constant 0 : index
    %swap3A_40 = vector.load %arg6[%swap3A_38, %swap3A_39] : memref<2000x128xf32, #tpu.memory_space<vmem>>, vector<2000x128xf32>
    tpu.vector_store %arg6[%swap3A_38, %swap3A_39], %concatenate3A_37 {strides = array<i32>} : memref<2000x128xf32, #tpu.memory_space<vmem>>, vector<2000x128xf32>,
    return
  }
  func.func @transform_0(%arg0: i32) -> (i32, i32) {
    %c0_i32 = arith.constant 0 : i32
    %c0_i32_0 = arith.constant 0 : i32
    return %arg0, %c0_i32 : i32, i32
  }
  func.func @transform_1(%arg0: i32) -> (i32, i32) {
    %c0_i32 = arith.constant 0 : i32
    %c0_i32_0 = arith.constant 0 : i32
    return %arg0, %c0_i32 : i32, i32
  }
  func.func @transform_2(%arg0: i32) -> (i32, i32) {
    %c0_i32 = arith.constant 0 : i32
    %c0_i32_0 = arith.constant 0 : i32
    return %arg0, %c0_i32 : i32, i32
  }
  func.func @transform_3(%arg0: i32) -> (i32, i32) {
    %c0_i32 = arith.constant 0 : i32
    %c0_i32_0 = arith.constant 0 : i32
    return %arg0, %c0_i32 : i32, i32
  }
  func.func @transform_4(%arg0: i32) -> (i32, i32) {
    %c0_i32 = arith.constant 0 : i32
    %c0_i32_0 = arith.constant 0 : i32
    return %arg0, %c0_i32 : i32, i32
  }
  func.func @transform_5(%arg0: i32) -> (i32, i32) {
    %c0_i32 = arith.constant 0 : i32
    %c0_i32_0 = arith.constant 0 : i32
    return %arg0, %c0_i32 : i32, i32
  }
}

</mosaic_0001>

<sc_bundles>
// kernel: kernel.4.cloned.1.call-start
scs
__scs_entry_jumppad:
0x0: {  	(pc) =	sbr.rel $0x88, $3  }
0x1: {  	(tag) =	ssettag $0x0;
	lr =	simm.s32 $0x1  }
0x2: {  	[smem:$0x3F9C] =	sst lr;
	_ =	strace $0xD0000000  }
0x3: {  	_ = 	snop  }
0x4: {  	_ = 	snop  }
0x5: {  	_ = 	snop  }
0x6: {  	_ = 	snop  }
0x7: {  	_ = 	snop  }
__scs_overlays_trampoline_lowered:
0x8: {  	[smem:$0x3FAB] =	sst s0  }
0x9: {  	[smem:$0x3FAC] =	sst s1  }
0xa: {  	[smem:$0x3FAD] =	sst s2  }
0xb: {  	[smem:$0x3FAE] =	sst s3  }
0xc: {  	[smem:$0x3FAF] =	sst s4  }
0xd: {  	[smem:$0x3FB0] =	sst s5  }
0xe: {  	[smem:$0x3FB1] =	sst s6  }
0xf: {  	[smem:$0x3FB2] =	sst s7  }
0x10: {  	[smem:$0x3FB3] =	sst s8  }
0x11: {  	[smem:$0x3FB4] =	sst s9;
	s0 =	simm.s32 @!p0 $0x0  }
0x12: {  	s1 =	sld [smem:$0x3F9A];
	s0 =	simm.s32 @p0 $0x1  }
0x13: {  	[smem:$0x3FB5] =	sst s0;
	s0 =	simm.s32 @!p1 $0x0  }
0x14: {  	s2 =	sld [smem:$0x3F99];
	s0 =	simm.s32 @p1 $0x1  }
0x15: {  	[smem:$0x3FB6] =	sst s0;
	s0 =	simm.s32 @!p2 $0x0  }
0x16: {  	s3 =	sld [smem:$0x3FDB];
	s0 =	simm.s32 @p2 $0x1  }
0x17: {  	s4 =	simm.s32 $0x1BF5;
	[smem:$0x3FB8] =	sst s0  }
0x18: {  	s0 =	sld [smem:$0x3F9B];
	_ =	swait.ge [sflag:s4], $0x0  }
0x19: {  	s7 =	sld [smem:$0x3F9C]  }
0x1a: {  	s8 =	sadd.s32 $0xFFFFE003, lr  }
0x1b: {  	s9 =	sadd.s32 $0xFFFFFEF7, lr;
	s5 =	simm.s32 $0xFFFFFFFF;
	p2 =	slt.u32 s8, $0xFFFFF086  }
0x1c: {  	p1 =	slt.u32 s9, $0xF7A;
	s5 =	simm.s32 @!p2 $0x0  }
0x1d: {  	s5 =	simm.s32 @p1 $0x1;
	p0 =	seq.s32 s7, s2  }
0x1e: {  	s7 =	smul.u32 @!p0 $0xF7A, s2;
	p2 =	seq.s32 @!p0 s5, $0x0  }
0x1f: {  	s9 =	smul.u32 $0xF7A, s1;
	s8 =	simm.s32 @!p0 $0x1BF5;
	p2 =	por !p2, p0  }
0x20: {  	[sflag:s8] =	ssyncset.s32 @!p0 $0xFFFFF086;
	s6 =	sadd.s32 @!p0 s3, s7;
	s7 =	simm.s32 @!p0 $0x108  }
0x21: {  	s3 =	sadd.s32 s3, s9;
	s6 =	sadd.s32 @!p0 $0x88, s6;
	s7 =	simm.s32 @p2 $0x1082  }
0x22: {  	[simem:s7], [sflag:s8] =	dma.local @!p0 [hbm:s6], $0xF7A  }
0x23: {  	s9 =	sor.u32 $0xD0000000, s2;
	s6 =	simm.s32 $0x108;
	_ =	swait.ge @!p0 [sflag:s8], $0x0  }
0x24: {  	s3 =	sadd.s32 $0x88, s3;
	s6 =	simm.s32 @!p1 $0x1082;
	[sflag:s4] =	ssyncset.s32 $0xFFFFF086  }
0x25: {  	[simem:s6], [sflag:s4] =	dma.local [hbm:s3], $0xF7A  }
0x26: {  	[smem:$0x3F9C] =	sst s1;
	(tag) =	ssettag s2;
	_ =	strace s9  }
0x27: {  	s1 =	sld [smem:$0x3FAC]  }
0x28: {  	s2 =	sld [smem:$0x3FAD]  }
0x29: {  	s4 =	sld [smem:$0x3FAF]  }
0x2a: {  	p0 =	seq.s32 s5, $0x0;
	s5 =	sld [smem:$0x3FB0]  }
0x2b: {  	s6 =	sld [smem:$0x3FB1]  }
0x2c: {  	s7 =	sld [smem:$0x3FB2]  }
0x2d: {  	s3 =	simm.s32 $0x108;
	s8 =	sld [smem:$0x3FB3]  }
0x2e: {  	s3 =	simm.s32 @!p0 $0x1082;
	s9 =	sld [smem:$0x3FB4]  }
0x2f: {  	lr =	sadd.s32 s0, s3;
	s0 =	sld [smem:$0x3FAB]  }
0x30: {  	s3 =	sld [smem:$0x3FAE]  }
0x31: {  	[smem:$0x3FB7] =	sst s10  }
0x32: {  	s10 =	sld [smem:$0x3FB5];
	_ =	sdelay $0x3  }
0x33: {  	p0 =	seq.s32 s10, $0x1;
	s10 =	sld [smem:$0x3FB7];
	_ =	sdelay $0x3  }
0x34: {  	[smem:$0x3FB7] =	sst s10  }
0x35: {  	s10 =	sld [smem:$0x3FB6];
	_ =	sdelay $0x3  }
0x36: {  	p1 =	seq.s32 s10, $0x1;
	s10 =	sld [smem:$0x3FB7];
	_ =	sdelay $0x3  }
0x37: {  	[smem:$0x3FB7] =	sst s10  }
0x38: {  	s10 =	sld [smem:$0x3FB8]  }
0x39: {  	_ = 	snop;
	(pc) =	sbr.ind lr, $3  }
0x3a: {  	_ = 	snop  }
0x3b: {  	_ = 	snop  }
0x3c: {  	p2 =	seq.s32 s10, $0x1;
	s10 =	sld [smem:$0x3FB7]  }
0x3d: {  	_ =	shalt  }
0x3e: {  	_ =	shalt  }
0x3f: {  	_ =	shalt  }
0x40: {  	_ =	shalt  }
0x41: {  	_ =	shalt  }
0x42: {  	_ =	shalt  }
0x43: {  	_ =	shalt  }
0x44: {  	_ =	shalt  }
0x45: {  	_ =	shalt  }
0x46: {  	_ =	shalt  }
0x47: {  	_ =	shalt  }
0x48: {  	_ =	shalt  }
0x49: {  	_ =	shalt  }
0x4a: {  	_ =	shalt  }
0x4b: {  	_ =	shalt  }
0x4c: {  	_ =	shalt  }
0x4d: {  	_ =	shalt  }
0x4e: {  	_ =	shalt  }
0x4f: {  	_ =	shalt  }
0x50: {  	_ =	shalt  }
0x51: {  	_ =	shalt  }
0x52: {  	_ =	shalt  }
0x53: {  	_ =	shalt  }
0x54: {  	_ =	shalt  }
0x55: {  	_ =	shalt  }
0x56: {  	_ =	shalt  }
0x57: {  	_ =	shalt  }
0x58: {  	_ =	shalt  }
0x59: {  	_ =	shalt  }
0x5a: {  	_ =	shalt  }
0x5b: {  	_ =	shalt  }
0x5c: {  	_ =	shalt  }
0x5d: {  	_ =	shalt  }
0x5e: {  	_ =	shalt  }
0x5f: {  	_ =	shalt  }
0x60: {  	_ =	shalt  }
0x61: {  	_ =	shalt  }
0x62: {  	_ =	shalt  }
0x63: {  	_ =	shalt  }
0x64: {  	_ =	shalt  }
0x65: {  	_ =	shalt  }
0x66: {  	_ =	shalt  }
0x67: {  	_ =	shalt  }
0x68: {  	_ =	shalt  }
0x69: {  	_ =	shalt  }
0x6a: {  	_ =	shalt  }
0x6b: {  	_ =	shalt  }
0x6c: {  	_ =	shalt  }
0x6d: {  	_ =	shalt  }
0x6e: {  	_ =	shalt  }
0x6f: {  	_ =	shalt  }
0x70: {  	_ =	shalt  }
0x71: {  	_ =	shalt  }
0x72: {  	_ =	shalt  }
0x73: {  	_ =	shalt  }
0x74: {  	_ =	shalt  }
0x75: {  	_ =	shalt  }
0x76: {  	_ =	shalt  }
0x77: {  	_ =	shalt  }
0x78: {  	_ =	shalt  }
0x79: {  	_ =	shalt  }
0x7a: {  	_ =	shalt  }
0x7b: {  	_ =	shalt  }
0x7c: {  	_ =	shalt  }
0x7d: {  	_ =	shalt  }
0x7e: {  	_ =	shalt  }
0x7f: {  	_ =	shalt  }
0x80: {  	_ =	shalt  }
0x81: {  	_ =	shalt  }
0x82: {  	_ =	shalt  }
0x83: {  	_ =	shalt  }
0x84: {  	_ =	shalt  }
0x85: {  	_ =	shalt  }
0x86: {  	_ =	shalt  }
0x87: {  	_ =	shalt  }
.Lfunc_end0:
.L_simem_size_0:
called_computation_lowered:
.L_overlay_start_0:
0x88: {  	s2 =	sld [smem:$0x3FD9]  }
0x89: {  	s3 =	sld [smem:$0x3FFE];
	_ =	sdelay $0x1  }
0x8a: {  	s1 =	srdreg.scid  }
0x8b: {  	s0 =	sand.u32 $0x1, s1  }
0x8c: {  	s17 =	sshll.u32 s0, $0xA;
	s2 =	sadd.s32 s3, s2  }
0x8d: {  	s2 =	sadd.s32 s2, s17  }
0x8e: {  	[smem:$0x3FC3] =	sst s2  }
0x8f: {  	_ = 	snop  }
0x90: {  	s2 =	sld [smem:$0x3FD0];
	(tm) =	ssettm $0x1  }
0x91: {  	s18 =	sld [smem:$0x3FFB];
	_ =	sdelay $0x3  }
0x92: {  	_ =	strace s18  }
0x93: {  	s3 =	sld [smem:$0x3FFC];
	_ =	sdelay $0x3  }
0x94: {  	_ =	strace s3  }
0x95: {  	s3 =	sld [smem:$0x3FFD];
	_ =	sdelay $0x3  }
0x96: {  	_ =	strace s3  }
0x97: {  	_ =	strace $0x8FFFFFFF  }
0x98: {  	s19 =	sld [smem:$0x3FDB];
	_ =	sdelay $0x1  }
0x99: {  	s4 =	simm.s32 $_scs_section_size  }
0x9a: {  	s5 =	simm.s32 $_size__tile_overlayer_lowered;
	s6 =	simm.s32 $_tile_overlayer_lowered  }
0x9b: {  	s22 =	simm.s32 $0x1BFF;
	s21 =	sshll.u32 s6, $0x1;
	s3 =	sadd.s32 s4, s19  }
0x9c: {  	s7 =	simm.s32 $0x0;
	s20 =	sshll.u32 s5, $0x1;
	s5 =	sadd.s32 s21, s3  }
0x9d: {  	[timem:s7], [sflag:s22] =	dma.local [hbm:s5], s20  }
0x9e: {  	_ =	swait.ge [sflag:s22], s20  }
0x9f: {  	s4 =	ssub.s32 $0x0, s20;
	[sflag:s22] =	ssyncset.done $0x0  }
0xa0: {  	[sflag:s22] =	ssyncadd.s32 s4;
	_ =	sdelay $0x1  }
0xa1: {  	s23 =	simm.s32 $0x1B8B  }
0xa2: {  	_ =	swait.ge [sflag:s23], $0x1  }
0xa3: {  	[sflag:s23] =	ssyncset.done $0x0  }
0xa4: {  	s25 =	simm.s32 $0x1B8E;
	s24 =	sld [smem:$0x3FFE];
	[sflag:s23] =	ssyncadd.s32 $0xFFFFFFFF  }
0xa5: {  	s26 =	simm.s32 $execute0_lowered;
	[smem:$0x3FD2] =	sst s25  }
0xa6: {  	s5 =	sshll.u32 s26, $0x1;
	_ =	strace $0x80000046;
	[dreg:$0x1] =	wrdreg $0xFFFFFFFF  }
0xa7: {  	s28 =	simm.s32 $_size_execute0_lowered;
	s3 =	sadd.s32 s3, s5;
	[dreg:$0x0] =	wrdreg $0x0  }
0xa8: {  	s5 =	sshll.u32 s28, $0x1;
	[dreg:$0x2] =	wrdreg s3  }
0xa9: {  	[dreg:$0x3] =	wrdreg s5  }
0xaa: {  	[dreg:$0x4] =	wrdreg $0xC0  }
0xab: {  	_ =	task [dreg:s7], $0x5FFFF  }
0xac: {  	[dreg:$0x1] =	wrdreg $0xFFFFFFFF  }
0xad: {  	[dreg:$0x0] =	wrdreg $0x60  }
0xae: {  	[dreg:$0x2] =	wrdreg s2  }
0xaf: {  	[dreg:$0x3] =	wrdreg s24  }
0xb0: {  	[dreg:$0x4] =	wrdreg $0x9  }
0xb1: {  	_ =	task.clear_ibuf [dreg:s7], $0x5FFFF;
	_ =	strace $0x90000046  }
0xb2: {  	s29 =	simm.s32 $0x9;
	_ =	strace $0x80000048  }
0xb3: {  	_ =	swait.ge [sflag:s29], $0x1  }
0xb4: {  	[sflag:s29] =	ssyncadd.s32 $0xFFFFFFFF  }
0xb5: {  	_ =	strace $0x90000048  }
0xb6: {  	_ =	sfence  }
0xb7: {  	s30 =	sld [smem:$0x0];
	_ =	sdelay $0x2  }
0xb8: {  	s31 =	sshll.u32 s1, $0xD;
	s1 =	sshrl.u32 s1, $0x2  }
0xb9: {  	s3 =	sand.u32 $0x4000, s31;
	s1 =	sadd.s32 s1, s30  }
0xba: {  	s0 =	sor.u32 s3, s0;
	s1 =	sshll.u32 s1, $0x11  }
0xbb: {  	s0 =	sor.u32 s1, s0  }
0xbc: {  	s0 =	sadd.s32 $0x8F2B, s0  }
0xbd: {  	[sflag:s0] =	ssyncadd.remote.s32 $0x1  }
0xbe: {  	_ =	sfence.sel $0xFFFF  }
0xbf: {  	[dreg:$0x0] =	wrdreg $0xFFFFFFFF;
	(pc) =	sbr.abs _section_cstart, $3  }
0xc0: {  	[dreg:$0x1] =	wrdreg $0xFFFFFFFF  }
0xc1: {  	_ =	task.clear_ibuf [dreg:s7], $0x2FFFF;
	_ =	strace $0x9FFFFFFF  }
0xc2: {  	(tm) =	ssettm $0x7FFFFFFF  }
0xc3: {  	_ =	shalt  }
tec
execute0_lowered:
.L_overlay_start_1:
0x0: {  	(tag) =	ssettag $0x1  }
0x1: {  	s0 =	rddreg [dreg:$0x0]  }
0x2: {  	s1 =	rddreg [dreg:$0x1];
	s10 =	simm.s32 $0x0;
	s2 =	srdreg.scid  }
0x3: {  	s6 =	stileid.u32;
	[smem:$0x7FF] =	sst s10  }
0x4: {  	s2 =	sand.u32 $0x1, s2;
	s16 =	sadd.s32 $0x61CC00, s1;
	s17 =	sadd.s32 $0x7A3600, s1  }
0x5: {  	s3 =	sshll.u32 s6, $0x1;
	s6 =	smul.u32 $0x1A00, s6;
	_ =	strace $0x80000047  }
0x6: {  	s3 =	sor.u32 s2, s3;
	s5 =	ssub.s32 $0x2, s2;
	[dreg:$0x3] =	wrdreg s16  }
0x7: {  	v1 =	vimm.s32 $0xECA86420;
	v0 =	vlaneseq.u32;
	vm0 =	vcmask $0xB08;
	s2 =	smul.u32 $0xD00, s2;
	[dreg:$0x4] =	wrdreg s17;
	s7 =	sshrl.u32 s5, $0x1  }
0x8: {  	vm1 =	vcmask $0x1310;
	vm2 =	vcmask $0x1B18;
	vm3 =	vcmask $0x300;
	s4 =	smul.u32 $0xD00, s3;
	s3 =	sshll.u32 s3, $0x10;
	s29 =	ssub.s32 s5, s7  }
.Ltmp0:
0x9: {  	vm4 =	vcmask $0x2320;
	vm5 =	vcmask $0x2B28;
	vm6 =	vcmask $0x3330;
	s1 =	sadd.s32 s3, s1;
	s30 =	smax.u32 s29, $0x1;
	(pc) =	sbr.rel .LBB2_1-.Ltmp0, $4  }
0xa: {  	vm7 =	vcmask $0x3B38;
	vm8 =	vmmov $0xff;
	vm9 =	vcmask $0x704;
	s4 =	sshrl.u32 s4, $0x3;
	s18 =	sadd.s32 $0x2400, s1;
	[dreg:$0x7] =	wrdreg s30  }
0xb: {  	vm10 =	vcmask $0xF0C;
	vm11 =	vcmask $0x1714;
	v1 =	vunpack.c.l.s4.s8 v1;
	s31 =	sadd.s32 s2, s6;
	s0 =	sadd.s32 s0, s4;
	[dreg:$0x6] =	wrdreg s18  }
0xc: {  	vm12 =	vcmask $0x1F1C;
	vm13 =	vcmask $0x2724;
	vm14 =	vcmask $0x2F2C;
	[dreg:$0x5] =	wrdreg s0;
	s0 =	sor.u32 $0x30, s31  }
0xd: {  	vm15 =	vcmask $0x3734;
	v2 =	vmul.u32 $0x2, v0;
	v1 =	vunpack.c.0.s8.s32 v1;
	s2 =	simm.s32 $0x0;
	[dreg:$0x8] =	wrdreg s0  }
.LBB2_14:
0xe: {  	s0 =	simm.s32 $0x3  }
0xf: {  	_ =	swait.ge [sflag:s0], $0x3400  }
0x10: {  	[sflag:s0] =	ssyncset.done $0x0  }
0x11: {  	s1 =	simm.s32 $0x4;
	[sflag:s0] =	ssyncadd.s32 $0xFFFFCC00  }
0x12: {  	_ =	swait.ge [sflag:s1], $0x3400  }
0x13: {  	s2 =	rddreg [dreg:$0x9]  }
0x14: {  	s31 =	rddreg [dreg:$0x7];
	s2 =	sadd.s32 $0x1, s2  }
0x15: {  	p0 =	sne.s32 s2, s31  }
.Ltmp1:
0x16: {  	_ = 	snop;
	(pc) =	sbr.rel @!p0 .LBB2_15-.Ltmp1, $3  }
0x17: {  	_ =	sdelay $0x1  }
0x18: {  	[sflag:s1] =	ssyncset.done $0x0  }
0x19: {  	[sflag:s1] =	ssyncadd.s32 $0xFFFFCC00  }
.LBB2_1:
0x1a: {  	[dreg:$0x9] =	wrdreg s2  }
0x1b: {  	s0 =	rddreg [dreg:$0x5];
	s29 =	simm.s32 $0x5;
	s30 =	simm.s32 $0xD20  }
0x1c: {  	[tilespmem:s10], [sflag:$0x5] =	stream.linear.gather [hbm4b:s0+s10], $0xD00, $0x38;
	[tilespmem:$0x17700] =	vst v63  }
0x1d: {  	s31 =	simm.s32 $0x1A20;
	_ =	swait.ge [sflag:s29], $0xD00;
	[dreg:$0xc] =	wrdreg s30  }
0x1e: {  	s1 =	simm.s32 $0x20;
	[dreg:$0xd] =	wrdreg s31;
	[sflag:s29] =	ssyncset.done $0x0  }
0x1f: {  	s0 =	simm.s32 $0xFFFFFFFC;
	s2 =	rddreg [dreg:$0x8];
	[sflag:s29] =	ssyncadd.s32 $0xFFFFF300  }
.LBB2_2:
0x20: {  	s26 =	sadd.s32 $0xFFFFFFD0, s2  }
0x21: {  	v3 =	vor.u32 s26, v0  }
0x22: {  	v4 =	vmulhi.u32 $0x4EC4EC4F, v3;
	_ =	sdelay $0x1  }
0x23: {  	v4 =	vshrl.u32 v4, $0x3  }
0x24: {  	v5 =	vld [tilespmem:s1+$0xFFFFFFE0];
	v4 =	vmul.u32 $0x1A, v4;
	_ =	sdelay $0x1  }
0x25: {  	v3 =	vsub.s32 v3, v4  }
0x26: {  	v3 =	vmul.u32 $0x9C40, v3;
	_ =	sdelay $0x1  }
0x27: {  	v3 =	vadd.s32 v3, v5  }
0x28: {  	(v2sf) =	vpush v3, $0xD;
	_ =	sdelay $0x2  }
0x29: {  	(v2sf) =	vpush v3, $0xC;
	_ =	sdelay $0x3  }
0x2a: {  	(v2sf) =	vpush v3, $0xE;
	_ =	sdelay $0x3  }
0x2b: {  	(v2sf) =	vpush v3, $0xF;
	_ =	sdelay $0x1  }
0x2c: {  	(v2sf) =	vpush v3, $0x9;
	_ =	sdelay $0x1  }
0x2d: {  	(v2sf) =	vpush v3, $0x8;
	s5 =	spop (v2sf)  }
0x2e: {  	s30 =	smulhi.u32 $0x2E8BA2E9, s5  }
0x2f: {  	s16 =	sshra.s32 s5, $0x1F;
	s5 =	smulhi.u32 $0x14F8B589, s5  }
0x30: {  	s7 =	spop (v2sf);
	s29 =	smul.u32 $0x2E8BA2E9, s16  }
0x31: {  	(v2sf) =	vpush v3, $0xA;
	s11 =	smulhi.u32 $0x2E8BA2E9, s7  }
0x32: {  	s14 =	smul.u32 $0x14F8B589, s16  }
0x33: {  	[dreg:$0xb] =	wrdreg s1;
	s8 =	sshra.s32 s7, $0x1F;
	s15 =	smulhi.u32 $0x14F8B589, s7  }
0x34: {  	s9 =	spop (v2sf);
	s1 =	smul.u32 $0x2E8BA2E9, s8  }
0x35: {  	s19 =	smulhi.u32 $0x2E8BA2E9, s9  }
0x36: {  	[dreg:$0xe] =	wrdreg s2;
	s16 =	smul.u32 $0x14F8B589, s8  }
0x37: {  	[dreg:$0xa] =	wrdreg s0;
	s10 =	sshra.s32 s9, $0x1F;
	s17 =	smulhi.u32 $0x14F8B589, s9  }
0x38: {  	s12 =	spop (v2sf);
	s28 =	smul.u32 $0x2E8BA2E9, s10  }
0x39: {  	[smem:$0x793] =	sst s5;
	s31 =	smulhi.u32 $0x2E8BA2E9, s12  }
0x3a: {  	s20 =	spop (v2sf);
	s18 =	smul.u32 $0x14F8B589, s10  }
0x3b: {  	[smem:$0x794] =	sst s14;
	s22 =	smulhi.u32 $0x14F8B589, s12  }
0x3c: {  	s13 =	sshra.s32 s12, $0x1F;
	[smem:$0x78F] =	sst s31;
	s31 =	spop (v2sf);
	(v2sf) =	vpush v3, $0xB  }
0x3d: {  	[smem:$0x795] =	sst s15;
	s2 =	smul.u32 $0x2E8BA2E9, s13  }
0x3e: {  	s3 =	smulhi.u32 $0x2E8BA2E9, s20;
	[smem:$0x796] =	sst s16  }
0x3f: {  	[smem:$0x797] =	sst s17;
	s23 =	smul.u32 $0x14F8B589, s13  }
0x40: {  	s26 =	sshra.s32 s20, $0x1F;
	[smem:$0x78E] =	sst s28;
	s6 =	spop (v2sf);
	(v2sf) =	vpush v3, $0x0  }
0x41: {  	s25 =	smul.u32 $0x2E8BA2E9, s26;
	[smem:$0x798] =	sst s18  }
0x42: {  	[smem:$0x799] =	sst s22;
	s28 =	smulhi.u32 $0x14F8B589, s20  }
0x43: {  	[smem:$0x790] =	sst s2;
	s4 =	smulhi.u32 $0x2E8BA2E9, s31;
	(v2sf) =	vpush v3, $0x1  }
0x44: {  	[smem:$0x791] =	sst s3;
	s0 =	sshra.s32 s31, $0x1F;
	s3 =	smul.u32 $0x14F8B589, s26  }
0x45: {  	s30 =	sadd.s32 s29, s30;
	[smem:$0x79A] =	sst s23;
	s21 =	smul.u32 $0x2E8BA2E9, s0;
	(v2sf) =	vpush v3, $0x2  }
0x46: {  	s29 =	sadd.s32 s1, s11;
	s1 =	sld [smem:$0x78F];
	s24 =	smulhi.u32 $0x2E8BA2E9, s6  }
0x47: {  	[smem:$0x79B] =	sst s28;
	s0 =	smul.u32 $0x14F8B589, s0  }
0x48: {  	s5 =	sshra.s32 s6, $0x1F;
	s6 =	smulhi.u32 $0x14F8B589, s6;
	[smem:$0x792] =	sst s4;
	(v2sf) =	vpush v3, $0x3  }
0x49: {  	[smem:$0x79C] =	sst s3;
	s4 =	smulhi.u32 $0x14F8B589, s31  }
0x4a: {  	s22 =	smul.u32 $0x2E8BA2E9, s5;
	[smem:$0x79E] =	sst s0  }
0x4b: {  	s0 =	smul.u32 $0x14F8B589, s5;
	(v2sf) =	vpush v3, $0x4;
	s7 =	spop (v2sf)  }
0x4c: {  	s31 =	sld [smem:$0x78E];
	(v2sf) =	vpush v3, $0x5;
	s16 =	smulhi.u32 $0x2E8BA2E9, s7  }
0x4d: {  	[smem:$0x7A0] =	sst s0;
	s8 =	sshra.s32 s7, $0x1F;
	s0 =	smulhi.u32 $0x14F8B589, s7  }
0x4e: {  	[smem:$0x79F] =	sst s6;
	s20 =	smul.u32 $0x2E8BA2E9, s8  }
0x4f: {  	s10 =	spop (v2sf);
	(v2sf) =	vpush v3, $0x6;
	s9 =	smul.u32 $0x14F8B589, s8  }
0x50: {  	s6 =	sld [smem:$0x790];
	s15 =	smulhi.u32 $0x2E8BA2E9, s10  }
0x51: {  	[smem:$0x79D] =	sst s4;
	s12 =	sshra.s32 s10, $0x1F;
	s13 =	smulhi.u32 $0x14F8B589, s10  }
0x52: {  	(v2sf) =	vpush v3, $0x7;
	s17 =	spop (v2sf);
	s14 =	smul.u32 $0x14F8B589, s12  }
0x53: {  	[smem:$0x7A1] =	sst s0;
	s18 =	smulhi.u32 $0x2E8BA2E9, s17  }
0x54: {  	s28 =	smulhi.u32 $0x14F8B589, s17;
	s2 =	spop (v2sf)  }
0x55: {  	[smem:$0x7A3] =	sst s13;
	s13 =	smul.u32 $0x2E8BA2E9, s12  }
0x56: {  	s23 =	sshra.s32 s17, $0x1F;
	[smem:$0x7A2] =	sst s9;
	s17 =	smulhi.u32 $0x2E8BA2E9, s2  }
0x57: {  	s3 =	spop (v2sf);
	s12 =	sadd.s32 s31, s19;
	s31 =	sld [smem:$0x791]  }
0x58: {  	s4 =	sshra.s32 s2, $0x1F;
	[smem:$0x7A4] =	sst s14;
	s14 =	smul.u32 $0x2E8BA2E9, s23  }
0x59: {  	s19 =	sadd.s32 s6, s1;
	s6 =	sld [smem:$0x792];
	s8 =	smul.u32 $0x2E8BA2E9, s4  }
0x5a: {  	s22 =	sadd.s32 s22, s24;
	s11 =	smulhi.u32 $0x2E8BA2E9, s3;
	s26 =	spop (v2sf)  }
0x5b: {  	s5 =	sshra.s32 s3, $0x1F;
	s25 =	sadd.s32 s25, s31;
	s31 =	spop (v2sf)  }
0x5c: {  	s20 =	sadd.s32 s20, s16;
	s10 =	smul.u32 $0x2E8BA2E9, s5;
	s1 =	sshra.s32 s31, $0x1F  }
0x5d: {  	s9 =	smulhi.u32 $0x2E8BA2E9, s26;
	s7 =	sshra.s32 s26, $0x1F;
	[dreg:$0x15] =	wrdreg s1  }
0x5e: {  	s15 =	sadd.s32 s13, s15;
	s24 =	smul.u32 $0x2E8BA2E9, s1;
	s1 =	spop (v2sf)  }
0x5f: {  	[dreg:$0x19] =	wrdreg s7;
	s7 =	smul.u32 $0x2E8BA2E9, s7;
	s0 =	sshra.s32 s1, $0x1F  }
0x60: {  	s18 =	sadd.s32 s14, s18;
	s16 =	smulhi.u32 $0x2E8BA2E9, s1;
	[dreg:$0xf] =	wrdreg s0  }
0x61: {  	s8 =	sadd.s32 s8, s17;
	s13 =	smul.u32 $0x2E8BA2E9, s0;
	s0 =	spop (v2sf)  }
0x62: {  	[dreg:$0x12] =	wrdreg s1;
	s14 =	smulhi.u32 $0x2E8BA2E9, s0;
	s1 =	sshra.s32 s0, $0x1F  }
0x63: {  	s11 =	sadd.s32 s10, s11;
	s10 =	sld [smem:$0x794];
	s17 =	smul.u32 $0x2E8BA2E9, s1  }
0x64: {  	s9 =	sadd.s32 s7, s9;
	s7 =	sadd.s32 s13, s16;
	s13 =	sld [smem:$0x795]  }
0x65: {  	s16 =	sadd.s32 s17, s14;
	s17 =	smul.u32 $0x14F8B589, s4;
	s4 =	sld [smem:$0x793]  }
0x66: {  	s14 =	sld [smem:$0x796];
	_ =	sdelay $0x1  }
0x67: {  	s21 =	sadd.s32 s21, s6;
	s10 =	sadd.s32 s10, s4;
	s4 =	sld [smem:$0x797]  }
0x68: {  	s6 =	smulhi.u32 $0x2E8BA2E9, s31;
	s14 =	sadd.s32 s14, s13;
	s13 =	sld [smem:$0x798]  }
0x69: {  	_ = 	snop  }
0x6a: {  	s24 =	sadd.s32 s24, s6;
	s6 =	smulhi.u32 $0x14F8B589, s2  }
0x6b: {  	s2 =	smulhi.u32 $0x14F8B589, s3;
	s3 =	sadd.s32 s13, s4;
	s4 =	sld [smem:$0x799]  }
0x6c: {  	s13 =	sld [smem:$0x79A];
	_ =	sdelay $0x1  }
0x6d: {  	[smem:$0x7A5] =	sst s3  }
0x6e: {  	s3 =	sadd.s32 s13, s4;
	s4 =	sld [smem:$0x79B]  }
0x6f: {  	s13 =	smul.u32 $0x14F8B589, s5;
	s5 =	sld [smem:$0x79C]  }
0x70: {  	[smem:$0x7A6] =	sst s3  }
0x71: {  	s3 =	sld [smem:$0x79D]  }
0x72: {  	s5 =	sadd.s32 s5, s4;
	s4 =	sld [smem:$0x79E];
	_ =	sdelay $0x2  }
0x73: {  	s3 =	sadd.s32 s4, s3;
	s4 =	sld [smem:$0x7A0]  }
0x74: {  	[smem:$0x7A7] =	sst s3  }
0x75: {  	s3 =	sld [smem:$0x79F];
	_ =	sdelay $0x2  }
0x76: {  	s23 =	smul.u32 $0x14F8B589, s23;
	s3 =	sadd.s32 s4, s3;
	s4 =	sld [smem:$0x7A2]  }
0x77: {  	s0 =	smulhi.u32 $0x14F8B589, s0;
	[smem:$0x7A8] =	sst s3  }
0x78: {  	s1 =	smul.u32 $0x14F8B589, s1;
	s3 =	sld [smem:$0x7A1]  }
0x79: {  	_ = 	snop  }
0x7a: {  	s23 =	sadd.s32 s23, s28;
	s17 =	sadd.s32 s17, s6;
	s6 =	sadd.s32 s1, s0  }
0x7b: {  	s0 =	sshra.s32 s16, $0x1F;
	s3 =	sadd.s32 s4, s3;
	s4 =	sld [smem:$0x7A4]  }
0x7c: {  	s1 =	sshrl.u32 s30, $0x1F;
	v6 =	vmov s0;
	s0 =	sshra.s32 s12, $0x1;
	[smem:$0x7A9] =	sst s3  }
0x7d: {  	s28 =	sadd.s32 s13, s2;
	s2 =	sshrl.u32 s29, $0x1F;
	s3 =	sld [smem:$0x7A3]  }
0x7e: {  	s13 =	sshra.s32 s29, $0x1;
	s29 =	sshrl.u32 s12, $0x1F;
	s12 =	sshra.s32 s25, $0x1;
	v53 =	vmov s2  }
0x7f: {  	s2 =	sshrl.u32 s19, $0x1F;
	v8 =	vmov s13;
	s13 =	sshra.s32 s7, $0x1;
	v4 =	vsel vm0, s1, v53;
	s1 =	sshra.s32 s19, $0x1  }
0x80: {  	s4 =	sadd.s32 s4, s3;
	s3 =	sshra.s32 s30, $0x1;
	s30 =	sshrl.u32 s15, $0x1F  }
0x81: {  	s19 =	sshra.s32 s15, $0x1F;
	v4 =	vsel vm1, s29, v4;
	s29 =	sshrl.u32 s8, $0x1F;
	v54 =	vmov s30;
	s30 =	sshra.s32 s15, $0x1  }
0x82: {  	s15 =	sshra.s32 s18, $0x1F;
	v8 =	vsel vm0, s3, v8;
	s3 =	smulhi.u32 $0x14F8B589, s31;
	s31 =	sshrl.u32 s28, $0x1F  }
0x83: {  	v6 =	vsel vm3, s30, v6;
	v5 =	vnsel vm3, $0x0, v54;
	s30 =	sshrl.u32 s18, $0x1F;
	v8 =	vsel vm1, s0, v8;
	s0 =	smulhi.u32 $0x14F8B589, s26;
	s26 =	sshrl.u32 s17, $0x1F  }
0x84: {  	v5 =	vsel vm0, s30, v5;
	v6 =	vsel vm9, s19, v6;
	s19 =	sshra.s32 s18, $0x1;
	s30 =	sshrl.u32 s25, $0x1F;
	s18 =	sshrl.u32 s21, $0x1F  }
0x85: {  	s25 =	sshrl.u32 s9, $0x1F;
	v5 =	vsel vm1, s29, v5;
	v6 =	vsel vm0, s19, v6;
	s19 =	sshrl.u32 s11, $0x1F;
	v7 =	vmov s18;
	s29 =	sshra.s32 s8, $0x1  }
0x86: {  	s18 =	sshrl.u32 s22, $0x1F;
	v5 =	vsel vm2, s19, v5;
	v7 =	vsel vm0, s30, v7;
	s30 =	sshra.s32 s8, $0x1F;
	s19 =	sshrl.u32 s24, $0x1F  }
0x87: {  	v6 =	vsel vm10, s15, v6;
	s15 =	sshra.s32 s21, $0x1;
	s21 =	sshra.s32 s22, $0x1;
	s22 =	sshra.s32 s9, $0x1  }
0x88: {  	s8 =	sshrl.u32 s5, $0x1F;
	v5 =	vsel vm4, s25, v5;
	v6 =	vsel vm1, s29, v6;
	s25 =	sshrl.u32 s20, $0x1F;
	s29 =	sshrl.u32 s7, $0x1F  }
0x89: {  	v7 =	vsel vm1, s18, v7;
	s18 =	sshra.s32 s11, $0x1F;
	v9 =	vmov s15;
	s15 =	sshrl.u32 s10, $0x1F;
	v6 =	vsel vm11, s30, v6;
	s30 =	sshra.s32 s11, $0x1  }
0x8a: {  	v5 =	vsel vm5, s19, v5;
	s11 =	sshra.s32 s20, $0x1;
	s20 =	smov.u32 s10;
	s10 =	sld [smem:$0x7A6];
	v6 =	vsel vm2, s30, v6  }
0x8b: {  	v9 =	vsel vm0, s12, v9;
	v5 =	vsel vm6, s29, v5;
	s29 =	sshra.s32 s24, $0x1;
	s30 =	sshra.s32 s24, $0x1F;
	s24 =	sld [smem:$0x7A7];
	v6 =	vsel vm12, s18, v6  }
0x8c: {  	v7 =	vsel vm2, s25, v7;
	s25 =	sshra.s32 s9, $0x1F;
	v9 =	vsel vm1, s21, v9;
	s21 =	smov.u32 s5;
	s5 =	sld [smem:$0x7A8];
	v6 =	vsel vm4, s22, v6  }
0x8d: {  	v4 =	vsel vm2, s2, v4;
	v8 =	vsel vm2, s1, v8;
	s18 =	sshrl.u32 s14, $0x1F;
	s22 =	smov.u32 s14;
	s14 =	sld [smem:$0x7A5];
	v6 =	vsel vm13, s25, v6  }
0x8e: {  	s19 =	sshrl.u32 s16, $0x1F;
	v4 =	vcombine.low v7, v4;
	v10 =	vmov s18;
	s18 =	sshrl.u32 s23, $0x1F;
	s25 =	sshrl.u32 s10, $0x1F;
	v6 =	vsel vm5, s29, v6  }
0x8f: {  	v5 =	vsel vm7, s19, v5;
	v9 =	vsel vm2, s11, v9;
	s9 =	sshrl.u32 s24, $0x1F;
	s11 =	sshrl.u32 s5, $0x1F;
	s29 =	sshra.s32 s6, $0x1F;
	v6 =	vsel vm14, s30, v6  }
0x90: {  	v10 =	vsel vm0, s15, v10;
	s15 =	rddreg [dreg:$0x19];
	s19 =	sshrl.u32 s14, $0x1F;
	v11 =	vmov s29;
	v6 =	vsel vm6, s13, v6;
	s13 =	sshra.s32 s4, $0xD  }
0x91: {  	s1 =	smul.u32 $0x14F8B589, s15;
	v59 =	vmov s9;
	s30 =	sshrl.u32 s4, $0x1F;
	v10 =	vsel vm1, s19, v10;
	s4 =	sshra.s32 s4, $0x1F;
	v11 =	vsel vm3, s13, v11  }
0x92: {  	s9 =	sshra.s32 s28, $0x1F;
	s29 =	rddreg [dreg:$0x15];
	v56 =	vmov s30;
	v55 =	vsel vm2, s25, v10;
	s25 =	sshra.s32 s23, $0xD;
	v11 =	vsel vm9, s4, v11  }
0x93: {  	s15 =	sshra.s32 s24, $0xD;
	s19 =	sld [smem:$0x7A9];
	s30 =	sshra.s32 s23, $0x1F;
	v10 =	vnsel vm3, $0x0, v56;
	v11 =	vsel vm0, s25, v11  }
0x94: {  	v4 =	vperm.xlane v4, v1;
	s13 =	smul.u32 $0x14F8B589, s29;
	s23 =	rddreg [dreg:$0x12];
	v57 =	vsel vm0, s18, v10;
	s25 =	sshra.s32 s17, $0xD;
	v58 =	vsel vm10, s30, v11  }
0x95: {  	v8 =	vcombine.low v9, v8;
	s0 =	sadd.s32 s1, s0;
	s29 =	sshra.s32 s17, $0x1F;
	s18 =	smulhi.u32 $0x14F8B589, s23;
	v9 =	vsel vm1, s26, v57;
	v10 =	vsel vm1, s25, v58  }
0x96: {  	s12 =	sshrl.u32 s19, $0x1F;
	s26 =	rddreg [dreg:$0xf];
	v11 =	vsel vm0, s8, v59;
	v9 =	vsel vm2, s31, v9;
	s31 =	sshra.s32 s28, $0xD;
	v10 =	vsel vm11, s29, v10  }
0x97: {  	v12 =	vmov s15;
	s3 =	sadd.s32 s13, s3;
	s1 =	smul.u32 $0x14F8B589, s26;
	s30 =	sshrl.u32 s0, $0x1F;
	v11 =	vsel vm1, s11, v11;
	v10 =	vsel vm2, s31, v10  }
0x98: {  	s13 =	sshra.s32 s22, $0xD;
	s8 =	sshrl.u32 s3, $0x1F;
	v9 =	vsel vm4, s30, v9;
	v11 =	vsel vm2, s12, v11;
	s12 =	sshra.s32 s0, $0xD;
	v10 =	vsel vm12, s9, v10  }
0x99: {  	s17 =	sshra.s32 s20, $0xD;
	v60 =	vmov s13;
	s1 =	sadd.s32 s1, s18;
	v9 =	vsel vm5, s8, v9;
	s0 =	sshra.s32 s0, $0x1F;
	v10 =	vsel vm4, s12, v10  }
0x9a: {  	s20 =	sshra.s32 s3, $0xD;
	s18 =	sshra.s32 s21, $0xD;
	s11 =	sshrl.u32 s1, $0x1F;
	v7 =	vcombine.low v11, v55;
	v11 =	vsel vm0, s17, v60;
	v10 =	vsel vm13, s0, v10  }
0x9b: {  	s22 =	sshra.s32 s5, $0xD;
	s23 =	sshra.s32 s3, $0x1F;
	s21 =	sshra.s32 s14, $0xD;
	v12 =	vsel vm0, s18, v12;
	v9 =	vsel vm6, s11, v9;
	v10 =	vsel vm5, s20, v10  }
0x9c: {  	s24 =	sshra.s32 s10, $0xD;
	s25 =	sshra.s32 s19, $0xD;
	s26 =	sshra.s32 s1, $0xD;
	v11 =	vsel vm1, s21, v11;
	v12 =	vsel vm1, s22, v12;
	v10 =	vsel vm14, s23, v10  }
0x9d: {  	s28 =	sshrl.u32 s6, $0x1F;
	s29 =	sshra.s32 s1, $0x1F;
	v11 =	vsel vm2, s24, v11;
	v12 =	vsel vm2, s25, v12;
	v10 =	vsel vm6, s26, v10  }
0x9e: {  	s30 =	sshra.s32 s6, $0xD;
	v9 =	vsel vm7, s28, v9;
	v11 =	vcombine.low v12, v11;
	v10 =	vsel vm15, s29, v10  }
0x9f: {  	s31 =	sshra.s32 s7, $0x1F;
	v7 =	vperm.xlane v7, v1;
	v9 =	vperm.xlane v9, v2;
	v10 =	vsel vm7, s30, v10  }
0xa0: {  	s2 =	sshra.s32 s16, $0x1;
	v6 =	vsel vm15, s31, v6;
	v11 =	vperm.xlane v11, v1;
	v10 =	vperm.xlane v10, v2  }
0xa1: {  	v5 =	vperm.xlane v5, v2;
	v8 =	vperm.xlane v8, v1;
	v6 =	vsel vm7, s2, v6  }
0xa2: {  	s3 =	rddreg [dreg:$0xe];
	v6 =	vperm.xlane v6, v2;
	v7 =	vsel vm8, v9, v7;
	v61 =	vsel vm8, v10, v11  }
0xa3: {  	v4 =	vsel vm8, v5, v4;
	s0 =	sadd.s32 $0xFFFFFFE0, s3;
	v62 =	vadd.s32 v7, v61  }
0xa4: {  	v63 =	vor.u32 s0, v0;
	v6 =	vsel vm8, v6, v8;
	v5 =	vmul.u32 $0x186A0, v62  }
0xa5: {  	s4 =	rddreg [dreg:$0xc];
	v9 =	vmulhi.u32 $0x4EC4EC4F, v63;
	v4 =	vadd.s32 v4, v6  }
0xa6: {  	s5 =	rddreg [dreg:$0xd];
	[tilespmem:s4+$0xFFFFFFE0] =	vst v4;
	v3 =	vsub.s32 v3, v5  }
0xa7: {  	s6 =	rddreg [dreg:$0xb];
	[tilespmem:s5+$0xFFFFFFE0] =	vst v3;
	v3 =	vshrl.u32 v9, $0x3  }
0xa8: {  	v4 =	vld [tilespmem:s6+$0xFFFFFFF0];
	v3 =	vmul.u32 $0x1A, v3;
	_ =	sdelay $0x1  }
0xa9: {  	v3 =	vsub.s32 v63, v3  }
0xaa: {  	v3 =	vmul.u32 $0x9C40, v3;
	_ =	sdelay $0x1  }
0xab: {  	v3 =	vadd.s32 v3, v4  }
0xac: {  	(v2sf) =	vpush v3, $0xD;
	_ =	sdelay $0x2  }
0xad: {  	(v2sf) =	vpush v3, $0xC;
	_ =	sdelay $0x3  }
0xae: {  	(v2sf) =	vpush v3, $0xE;
	_ =	sdelay $0x3  }
0xaf: {  	(v2sf) =	vpush v3, $0xF;
	_ =	sdelay $0x1  }
0xb0: {  	(v2sf) =	vpush v3, $0x9;
	_ =	sdelay $0x1  }
0xb1: {  	(v2sf) =	vpush v3, $0x8;
	s7 =	spop (v2sf)  }
0xb2: {  	s30 =	smulhi.u32 $0x2E8BA2E9, s7  }
0xb3: {  	[dreg:$0xd] =	wrdreg s5;
	s8 =	sshra.s32 s7, $0x1F;
	s5 =	smulhi.u32 $0x14F8B589, s7  }
0xb4: {  	s9 =	spop (v2sf);
	s29 =	smul.u32 $0x2E8BA2E9, s8  }
0xb5: {  	(v2sf) =	vpush v3, $0xA;
	s11 =	smulhi.u32 $0x2E8BA2E9, s9  }
0xb6: {  	s14 =	smul.u32 $0x14F8B589, s8  }
0xb7: {  	s10 =	sshra.s32 s9, $0x1F;
	s15 =	smulhi.u32 $0x14F8B589, s9  }
0xb8: {  	s12 =	spop (v2sf);
	s1 =	smul.u32 $0x2E8BA2E9, s10  }
0xb9: {  	s19 =	smulhi.u32 $0x2E8BA2E9, s12  }
0xba: {  	s16 =	smul.u32 $0x14F8B589, s10  }
0xbb: {  	[dreg:$0xc] =	wrdreg s4;
	s13 =	sshra.s32 s12, $0x1F;
	s17 =	smulhi.u32 $0x14F8B589, s12  }
0xbc: {  	s20 =	spop (v2sf);
	s18 =	smul.u32 $0x2E8BA2E9, s13  }
0xbd: {  	[smem:$0x7AF] =	sst s5;
	s22 =	smulhi.u32 $0x2E8BA2E9, s20  }
0xbe: {  	s23 =	sshra.s32 s20, $0x1F;
	s28 =	spop (v2sf);
	[smem:$0x7B0] =	sst s14  }
0xbf: {  	[smem:$0x7B1] =	sst s15;
	s26 =	smul.u32 $0x2E8BA2E9, s23  }
0xc0: {  	s31 =	spop (v2sf);
	(v2sf) =	vpush v3, $0xB;
	[smem:$0x7B2] =	sst s16  }
0xc1: {  	s2 =	smulhi.u32 $0x2E8BA2E9, s28;
	[smem:$0x7B3] =	sst s17  }
0xc2: {  	s23 =	smul.u32 $0x14F8B589, s23;
	[smem:$0x7AA] =	sst s18  }
0xc3: {  	s3 =	sshra.s32 s28, $0x1F;
	s28 =	smulhi.u32 $0x14F8B589, s28;
	[smem:$0x7AB] =	sst s22  }
0xc4: {  	s25 =	smul.u32 $0x2E8BA2E9, s3;
	s6 =	spop (v2sf);
	(v2sf) =	vpush v3, $0x0  }
0xc5: {  	s4 =	smulhi.u32 $0x2E8BA2E9, s31;
	[smem:$0x7AC] =	sst s26  }
0xc6: {  	s18 =	smul.u32 $0x14F8B589, s13;
	[smem:$0x7AD] =	sst s2  }
0xc7: {  	s30 =	sadd.s32 s29, s30;
	s22 =	smulhi.u32 $0x14F8B589, s20;
	(v2sf) =	vpush v3, $0x1;
	[smem:$0x7B6] =	sst s23  }
0xc8: {  	s0 =	sshra.s32 s31, $0x1F;
	s3 =	smul.u32 $0x14F8B589, s3;
	[smem:$0x7B7] =	sst s28  }
0xc9: {  	s29 =	sadd.s32 s1, s11;
	s21 =	smul.u32 $0x2E8BA2E9, s0;
	s1 =	sld [smem:$0x7AB];
	(v2sf) =	vpush v3, $0x2  }
0xca: {  	s24 =	smulhi.u32 $0x2E8BA2E9, s6;
	[smem:$0x7AE] =	sst s4  }
0xcb: {  	s0 =	smul.u32 $0x14F8B589, s0;
	[smem:$0x7B4] =	sst s18  }
0xcc: {  	s5 =	sshra.s32 s6, $0x1F;
	s6 =	smulhi.u32 $0x14F8B589, s6;
	[smem:$0x7B5] =	sst s22;
	(v2sf) =	vpush v3, $0x3  }
0xcd: {  	[smem:$0x7B8] =	sst s3;
	s4 =	smulhi.u32 $0x14F8B589, s31  }
0xce: {  	s22 =	smul.u32 $0x2E8BA2E9, s5;
	[smem:$0x7BA] =	sst s0  }
0xcf: {  	s0 =	smul.u32 $0x14F8B589, s5;
	(v2sf) =	vpush v3, $0x4;
	s7 =	spop (v2sf)  }
0xd0: {  	s31 =	sld [smem:$0x7AA];
	(v2sf) =	vpush v3, $0x5;
	s16 =	smulhi.u32 $0x2E8BA2E9, s7  }
0xd1: {  	[smem:$0x7BC] =	sst s0;
	s8 =	sshra.s32 s7, $0x1F;
	s0 =	smulhi.u32 $0x14F8B589, s7  }
0xd2: {  	[smem:$0x7BB] =	sst s6;
	s20 =	smul.u32 $0x2E8BA2E9, s8  }
0xd3: {  	s10 =	spop (v2sf);
	(v2sf) =	vpush v3, $0x6;
	s9 =	smul.u32 $0x14F8B589, s8  }
0xd4: {  	s6 =	sld [smem:$0x7AC];
	s15 =	smulhi.u32 $0x2E8BA2E9, s10  }
0xd5: {  	[smem:$0x7B9] =	sst s4;
	s12 =	sshra.s32 s10, $0x1F;
	s13 =	smulhi.u32 $0x14F8B589, s10  }
0xd6: {  	(v2sf) =	vpush v3, $0x7;
	s17 =	spop (v2sf);
	s14 =	smul.u32 $0x14F8B589, s12  }
0xd7: {  	[smem:$0x7BD] =	sst s0;
	s18 =	smulhi.u32 $0x2E8BA2E9, s17  }
0xd8: {  	s28 =	smulhi.u32 $0x14F8B589, s17;
	s2 =	spop (v2sf)  }
0xd9: {  	[smem:$0x7BF] =	sst s13;
	s13 =	smul.u32 $0x2E8BA2E9, s12  }
0xda: {  	s23 =	sshra.s32 s17, $0x1F;
	[smem:$0x7BE] =	sst s9;
	s17 =	smulhi.u32 $0x2E8BA2E9, s2  }
0xdb: {  	s3 =	spop (v2sf);
	s12 =	sadd.s32 s31, s19;
	s31 =	sld [smem:$0x7AD]  }
0xdc: {  	s4 =	sshra.s32 s2, $0x1F;
	[smem:$0x7C0] =	sst s14;
	s14 =	smul.u32 $0x2E8BA2E9, s23  }
0xdd: {  	s19 =	sadd.s32 s6, s1;
	s6 =	sld [smem:$0x7AE];
	s8 =	smul.u32 $0x2E8BA2E9, s4  }
0xde: {  	s22 =	sadd.s32 s22, s24;
	s11 =	smulhi.u32 $0x2E8BA2E9, s3;
	s26 =	spop (v2sf)  }
0xdf: {  	s5 =	sshra.s32 s3, $0x1F;
	s25 =	sadd.s32 s25, s31;
	s31 =	spop (v2sf)  }
0xe0: {  	s20 =	sadd.s32 s20, s16;
	s10 =	smul.u32 $0x2E8BA2E9, s5;
	s1 =	sshra.s32 s31, $0x1F  }
0xe1: {  	s9 =	smulhi.u32 $0x2E8BA2E9, s26;
	s7 =	sshra.s32 s26, $0x1F;
	[dreg:$0x16] =	wrdreg s1  }
0xe2: {  	s15 =	sadd.s32 s13, s15;
	s24 =	smul.u32 $0x2E8BA2E9, s1;
	s1 =	spop (v2sf)  }
0xe3: {  	[dreg:$0x1a] =	wrdreg s7;
	s7 =	smul.u32 $0x2E8BA2E9, s7;
	s0 =	sshra.s32 s1, $0x1F  }
0xe4: {  	s18 =	sadd.s32 s14, s18;
	s16 =	smulhi.u32 $0x2E8BA2E9, s1;
	[dreg:$0x10] =	wrdreg s0  }
0xe5: {  	s8 =	sadd.s32 s8, s17;
	s13 =	smul.u32 $0x2E8BA2E9, s0;
	s0 =	spop (v2sf)  }
0xe6: {  	[dreg:$0x13] =	wrdreg s1;
	s14 =	smulhi.u32 $0x2E8BA2E9, s0;
	s1 =	sshra.s32 s0, $0x1F  }
0xe7: {  	s11 =	sadd.s32 s10, s11;
	s10 =	sld [smem:$0x7B0];
	s17 =	smul.u32 $0x2E8BA2E9, s1  }
0xe8: {  	s9 =	sadd.s32 s7, s9;
	s7 =	sadd.s32 s13, s16;
	s13 =	sld [smem:$0x7B1]  }
0xe9: {  	s16 =	sadd.s32 s17, s14;
	s17 =	smul.u32 $0x14F8B589, s4;
	s4 =	sld [smem:$0x7AF]  }
0xea: {  	s14 =	sld [smem:$0x7B2];
	_ =	sdelay $0x1  }
0xeb: {  	s21 =	sadd.s32 s21, s6;
	s10 =	sadd.s32 s10, s4;
	s4 =	sld [smem:$0x7B3]  }
0xec: {  	s6 =	smulhi.u32 $0x2E8BA2E9, s31;
	s14 =	sadd.s32 s14, s13;
	s13 =	sld [smem:$0x7B4]  }
0xed: {  	_ = 	snop  }
0xee: {  	s24 =	sadd.s32 s24, s6;
	s6 =	smulhi.u32 $0x14F8B589, s2  }
0xef: {  	s2 =	smulhi.u32 $0x14F8B589, s3;
	s3 =	sadd.s32 s13, s4;
	s4 =	sld [smem:$0x7B5]  }
0xf0: {  	s13 =	sld [smem:$0x7B6];
	_ =	sdelay $0x1  }
0xf1: {  	[smem:$0x7C1] =	sst s3  }
0xf2: {  	s3 =	sadd.s32 s13, s4;
	s4 =	sld [smem:$0x7B7]  }
0xf3: {  	s13 =	smul.u32 $0x14F8B589, s5;
	s5 =	sld [smem:$0x7B8]  }
0xf4: {  	[smem:$0x7C2] =	sst s3  }
0xf5: {  	s3 =	sld [smem:$0x7B9]  }
0xf6: {  	s5 =	sadd.s32 s5, s4;
	s4 =	sld [smem:$0x7BA];
	_ =	sdelay $0x2  }
0xf7: {  	s3 =	sadd.s32 s4, s3;
	s4 =	sld [smem:$0x7BC]  }
0xf8: {  	[smem:$0x7C3] =	sst s3  }
0xf9: {  	s3 =	sld [smem:$0x7BB];
	_ =	sdelay $0x2  }
0xfa: {  	s23 =	smul.u32 $0x14F8B589, s23;
	s3 =	sadd.s32 s4, s3;
	s4 =	sld [smem:$0x7BE]  }
0xfb: {  	s0 =	smulhi.u32 $0x14F8B589, s0;
	[smem:$0x7C4] =	sst s3  }
0xfc: {  	s1 =	smul.u32 $0x14F8B589, s1;
	s3 =	sld [smem:$0x7BD]  }
0xfd: {  	_ = 	snop  }
0xfe: {  	s23 =	sadd.s32 s23, s28;
	s17 =	sadd.s32 s17, s6;
	s6 =	sadd.s32 s1, s0  }
0xff: {  	s0 =	sshra.s32 s16, $0x1F;
	s3 =	sadd.s32 s4, s3;
	s4 =	sld [smem:$0x7C0]  }
0x100: {  	s1 =	sshrl.u32 s30, $0x1F;
	v12 =	vmov s0;
	s0 =	sshra.s32 s12, $0x1;
	[smem:$0x7C5] =	sst s3  }
0x101: {  	s28 =	sadd.s32 s13, s2;
	s2 =	sshrl.u32 s29, $0x1F;
	s3 =	sld [smem:$0x7BF]  }
0x102: {  	s13 =	sshra.s32 s29, $0x1;
	s29 =	sshrl.u32 s12, $0x1F;
	s12 =	sshra.s32 s25, $0x1;
	v10 =	vmov s2  }
0x103: {  	s2 =	sshrl.u32 s19, $0x1F;
	v14 =	vmov s13;
	s13 =	sshra.s32 s7, $0x1;
	v4 =	vsel vm0, s1, v10;
	s1 =	sshra.s32 s19, $0x1  }
0x104: {  	s4 =	sadd.s32 s4, s3;
	s3 =	sshra.s32 s30, $0x1;
	s30 =	sshrl.u32 s15, $0x1F  }
0x105: {  	s19 =	sshra.s32 s15, $0x1F;
	v4 =	vsel vm1, s29, v4;
	s29 =	sshrl.u32 s8, $0x1F;
	v11 =	vmov s30;
	s30 =	sshra.s32 s15, $0x1  }
0x106: {  	s15 =	sshra.s32 s18, $0x1F;
	v8 =	vsel vm0, s3, v14;
	s3 =	smulhi.u32 $0x14F8B589, s31;
	s31 =	sshrl.u32 s28, $0x1F  }
0x107: {  	v6 =	vsel vm3, s30, v12;
	v5 =	vnsel vm3, $0x0, v11;
	s30 =	sshrl.u32 s18, $0x1F;
	v8 =	vsel vm1, s0, v8;
	s0 =	smulhi.u32 $0x14F8B589, s26;
	s26 =	sshrl.u32 s17, $0x1F  }
0x108: {  	v5 =	vsel vm0, s30, v5;
	v6 =	vsel vm9, s19, v6;
	s19 =	sshra.s32 s18, $0x1;
	s30 =	sshrl.u32 s25, $0x1F;
	s18 =	sshrl.u32 s21, $0x1F  }
0x109: {  	s25 =	sshrl.u32 s9, $0x1F;
	v5 =	vsel vm1, s29, v5;
	v6 =	vsel vm0, s19, v6;
	s19 =	sshrl.u32 s11, $0x1F;
	v13 =	vmov s18;
	s29 =	sshra.s32 s8, $0x1  }
0x10a: {  	s18 =	sshrl.u32 s22, $0x1F;
	v5 =	vsel vm2, s19, v5;
	v7 =	vsel vm0, s30, v13;
	s30 =	sshra.s32 s8, $0x1F;
	s19 =	sshrl.u32 s24, $0x1F  }
0x10b: {  	v6 =	vsel vm10, s15, v6;
	s15 =	sshra.s32 s21, $0x1;
	s21 =	sshra.s32 s22, $0x1;
	s22 =	sshra.s32 s9, $0x1  }
0x10c: {  	s8 =	sshrl.u32 s5, $0x1F;
	v5 =	vsel vm4, s25, v5;
	v6 =	vsel vm1, s29, v6;
	s25 =	sshrl.u32 s20, $0x1F;
	s29 =	sshrl.u32 s7, $0x1F  }
0x10d: {  	v7 =	vsel vm1, s18, v7;
	s18 =	sshra.s32 s11, $0x1F;
	v15 =	vmov s15;
	s15 =	sshrl.u32 s10, $0x1F;
	v6 =	vsel vm11, s30, v6;
	s30 =	sshra.s32 s11, $0x1  }
0x10e: {  	v5 =	vsel vm5, s19, v5;
	s11 =	sshra.s32 s20, $0x1;
	s20 =	smov.u32 s10;
	s10 =	sld [smem:$0x7C2];
	v6 =	vsel vm2, s30, v6  }
0x10f: {  	v9 =	vsel vm0, s12, v15;
	v5 =	vsel vm6, s29, v5;
	s29 =	sshra.s32 s24, $0x1;
	s30 =	sshra.s32 s24, $0x1F;
	s24 =	sld [smem:$0x7C3];
	v6 =	vsel vm12, s18, v6  }
0x110: {  	v7 =	vsel vm2, s25, v7;
	s25 =	sshra.s32 s9, $0x1F;
	v9 =	vsel vm1, s21, v9;
	s21 =	smov.u32 s5;
	s5 =	sld [smem:$0x7C4];
	v6 =	vsel vm4, s22, v6  }
0x111: {  	v4 =	vsel vm2, s2, v4;
	v8 =	vsel vm2, s1, v8;
	s18 =	sshrl.u32 s14, $0x1F;
	s22 =	smov.u32 s14;
	s14 =	sld [smem:$0x7C1];
	v6 =	vsel vm13, s25, v6  }
0x112: {  	s19 =	sshrl.u32 s16, $0x1F;
	v4 =	vcombine.low v7, v4;
	v16 =	vmov s18;
	s18 =	sshrl.u32 s23, $0x1F;
	s25 =	sshrl.u32 s10, $0x1F;
	v6 =	vsel vm5, s29, v6  }
0x113: {  	v5 =	vsel vm7, s19, v5;
	v9 =	vsel vm2, s11, v9;
	s9 =	sshrl.u32 s24, $0x1F;
	s11 =	sshrl.u32 s5, $0x1F;
	s29 =	sshra.s32 s6, $0x1F;
	v6 =	vsel vm14, s30, v6  }
0x114: {  	v10 =	vsel vm0, s15, v16;
	s15 =	rddreg [dreg:$0x1a];
	s19 =	sshrl.u32 s14, $0x1F;
	v17 =	vmov s29;
	v6 =	vsel vm6, s13, v6;
	s13 =	sshra.s32 s4, $0xD  }
0x115: {  	s1 =	smul.u32 $0x14F8B589, s15;
	v22 =	vmov s9;
	s30 =	sshrl.u32 s4, $0x1F;
	v10 =	vsel vm1, s19, v10;
	s4 =	sshra.s32 s4, $0x1F;
	v11 =	vsel vm3, s13, v17  }
0x116: {  	s9 =	sshra.s32 s28, $0x1F;
	s29 =	rddreg [dreg:$0x16];
	v19 =	vmov s30;
	v18 =	vsel vm2, s25, v10;
	s25 =	sshra.s32 s23, $0xD;
	v11 =	vsel vm9, s4, v11  }
0x117: {  	s15 =	sshra.s32 s24, $0xD;
	s19 =	sld [smem:$0x7C5];
	s30 =	sshra.s32 s23, $0x1F;
	v10 =	vnsel vm3, $0x0, v19;
	v11 =	vsel vm0, s25, v11  }
0x118: {  	v4 =	vperm.xlane v4, v1;
	s13 =	smul.u32 $0x14F8B589, s29;
	s23 =	rddreg [dreg:$0x13];
	v20 =	vsel vm0, s18, v10;
	s25 =	sshra.s32 s17, $0xD;
	v21 =	vsel vm10, s30, v11  }
0x119: {  	v8 =	vcombine.low v9, v8;
	s0 =	sadd.s32 s1, s0;
	s29 =	sshra.s32 s17, $0x1F;
	s18 =	smulhi.u32 $0x14F8B589, s23;
	v9 =	vsel vm1, s26, v20;
	v10 =	vsel vm1, s25, v21  }
0x11a: {  	s12 =	sshrl.u32 s19, $0x1F;
	s26 =	rddreg [dreg:$0x10];
	v11 =	vsel vm0, s8, v22;
	v9 =	vsel vm2, s31, v9;
	s31 =	sshra.s32 s28, $0xD;
	v10 =	vsel vm11, s29, v10  }
0x11b: {  	v24 =	vmov s15;
	s3 =	sadd.s32 s13, s3;
	s1 =	smul.u32 $0x14F8B589, s26;
	s30 =	sshrl.u32 s0, $0x1F;
	v11 =	vsel vm1, s11, v11;
	v10 =	vsel vm2, s31, v10  }
0x11c: {  	s13 =	sshra.s32 s22, $0xD;
	s8 =	sshrl.u32 s3, $0x1F;
	v9 =	vsel vm4, s30, v9;
	v11 =	vsel vm2, s12, v11;
	s12 =	sshra.s32 s0, $0xD;
	v10 =	vsel vm12, s9, v10  }
0x11d: {  	s17 =	sshra.s32 s20, $0xD;
	v23 =	vmov s13;
	s1 =	sadd.s32 s1, s18;
	v9 =	vsel vm5, s8, v9;
	s0 =	sshra.s32 s0, $0x1F;
	v10 =	vsel vm4, s12, v10  }
0x11e: {  	s20 =	sshra.s32 s3, $0xD;
	s18 =	sshra.s32 s21, $0xD;
	s11 =	sshrl.u32 s1, $0x1F;
	v7 =	vcombine.low v11, v18;
	v11 =	vsel vm0, s17, v23;
	v10 =	vsel vm13, s0, v10  }
0x11f: {  	s22 =	sshra.s32 s5, $0xD;
	s23 =	sshra.s32 s3, $0x1F;
	s21 =	sshra.s32 s14, $0xD;
	v12 =	vsel vm0, s18, v24;
	v9 =	vsel vm6, s11, v9;
	v10 =	vsel vm5, s20, v10  }
0x120: {  	s24 =	sshra.s32 s10, $0xD;
	s25 =	sshra.s32 s19, $0xD;
	s26 =	sshra.s32 s1, $0xD;
	v11 =	vsel vm1, s21, v11;
	v12 =	vsel vm1, s22, v12;
	v10 =	vsel vm14, s23, v10  }
0x121: {  	s28 =	sshrl.u32 s6, $0x1F;
	s29 =	sshra.s32 s1, $0x1F;
	v11 =	vsel vm2, s24, v11;
	v12 =	vsel vm2, s25, v12;
	v10 =	vsel vm6, s26, v10  }
0x122: {  	s30 =	sshra.s32 s6, $0xD;
	v9 =	vsel vm7, s28, v9;
	v11 =	vcombine.low v12, v11;
	v10 =	vsel vm15, s29, v10  }
0x123: {  	s31 =	sshra.s32 s7, $0x1F;
	v7 =	vperm.xlane v7, v1;
	v9 =	vperm.xlane v9, v2;
	v10 =	vsel vm7, s30, v10  }
0x124: {  	s2 =	sshra.s32 s16, $0x1;
	v6 =	vsel vm15, s31, v6;
	v11 =	vperm.xlane v11, v1;
	v10 =	vperm.xlane v10, v2  }
0x125: {  	v5 =	vperm.xlane v5, v2;
	v8 =	vperm.xlane v8, v1;
	v6 =	vsel vm7, s2, v6  }
0x126: {  	s3 =	rddreg [dreg:$0xe];
	v6 =	vperm.xlane v6, v2;
	v7 =	vsel vm8, v9, v7;
	v25 =	vsel vm8, v10, v11  }
0x127: {  	v4 =	vsel vm8, v5, v4;
	s0 =	sadd.s32 $0xFFFFFFF0, s3;
	v26 =	vadd.s32 v7, v25  }
0x128: {  	v27 =	vor.u32 s0, v0;
	v6 =	vsel vm8, v6, v8;
	v5 =	vmul.u32 $0x186A0, v26  }
0x129: {  	s4 =	rddreg [dreg:$0xc];
	v28 =	vmulhi.u32 $0x4EC4EC4F, v27;
	v4 =	vadd.s32 v4, v6  }
0x12a: {  	s5 =	rddreg [dreg:$0xd];
	[tilespmem:s4+$0xFFFFFFF0] =	vst v4;
	v3 =	vsub.s32 v3, v5  }
0x12b: {  	s6 =	rddreg [dreg:$0xb];
	[tilespmem:s5+$0xFFFFFFF0] =	vst v3;
	v3 =	vshrl.u32 v28, $0x3  }
0x12c: {  	v4 =	vld [tilespmem:s6+$0x0];
	v3 =	vmul.u32 $0x1A, v3;
	_ =	sdelay $0x1  }
0x12d: {  	v3 =	vsub.s32 v27, v3  }
0x12e: {  	v3 =	vmul.u32 $0x9C40, v3;
	_ =	sdelay $0x1  }
0x12f: {  	v3 =	vadd.s32 v3, v4  }
0x130: {  	(v2sf) =	vpush v3, $0xD;
	_ =	sdelay $0x2  }
0x131: {  	(v2sf) =	vpush v3, $0xC;
	_ =	sdelay $0x3  }
0x132: {  	(v2sf) =	vpush v3, $0xE;
	_ =	sdelay $0x3  }
0x133: {  	(v2sf) =	vpush v3, $0xF;
	_ =	sdelay $0x1  }
0x134: {  	(v2sf) =	vpush v3, $0x9;
	_ =	sdelay $0x1  }
0x135: {  	(v2sf) =	vpush v3, $0x8;
	s7 =	spop (v2sf)  }
0x136: {  	s30 =	smulhi.u32 $0x2E8BA2E9, s7  }
0x137: {  	s8 =	sshra.s32 s7, $0x1F;
	s5 =	smulhi.u32 $0x14F8B589, s7  }
0x138: {  	s9 =	spop (v2sf);
	s29 =	smul.u32 $0x2E8BA2E9, s8  }
0x139: {  	(v2sf) =	vpush v3, $0xA;
	s11 =	smulhi.u32 $0x2E8BA2E9, s9  }
0x13a: {  	s14 =	smul.u32 $0x14F8B589, s8  }
0x13b: {  	s10 =	sshra.s32 s9, $0x1F;
	s15 =	smulhi.u32 $0x14F8B589, s9  }
0x13c: {  	s12 =	spop (v2sf);
	s1 =	smul.u32 $0x2E8BA2E9, s10  }
0x13d: {  	s19 =	smulhi.u32 $0x2E8BA2E9, s12  }
0x13e: {  	s16 =	smul.u32 $0x14F8B589, s10  }
0x13f: {  	s13 =	sshra.s32 s12, $0x1F;
	s17 =	smulhi.u32 $0x14F8B589, s12  }
0x140: {  	s20 =	spop (v2sf);
	s18 =	smul.u32 $0x2E8BA2E9, s13  }
0x141: {  	[smem:$0x7CB] =	sst s5;
	s22 =	smulhi.u32 $0x2E8BA2E9, s20  }
0x142: {  	s23 =	sshra.s32 s20, $0x1F;
	s28 =	spop (v2sf);
	[smem:$0x7CC] =	sst s14  }
0x143: {  	[smem:$0x7CD] =	sst s15;
	s26 =	smul.u32 $0x2E8BA2E9, s23  }
0x144: {  	s31 =	spop (v2sf);
	(v2sf) =	vpush v3, $0xB;
	[smem:$0x7CE] =	sst s16  }
0x145: {  	s2 =	smulhi.u32 $0x2E8BA2E9, s28;
	[smem:$0x7CF] =	sst s17  }
0x146: {  	s23 =	smul.u32 $0x14F8B589, s23;
	[smem:$0x7C6] =	sst s18  }
0x147: {  	s3 =	sshra.s32 s28, $0x1F;
	s28 =	smulhi.u32 $0x14F8B589, s28;
	[smem:$0x7C7] =	sst s22  }
0x148: {  	s25 =	smul.u32 $0x2E8BA2E9, s3;
	s6 =	spop (v2sf);
	(v2sf) =	vpush v3, $0x0  }
0x149: {  	s4 =	smulhi.u32 $0x2E8BA2E9, s31;
	[smem:$0x7C8] =	sst s26  }
0x14a: {  	s18 =	smul.u32 $0x14F8B589, s13;
	[smem:$0x7C9] =	sst s2  }
0x14b: {  	s30 =	sadd.s32 s29, s30;
	s22 =	smulhi.u32 $0x14F8B589, s20;
	(v2sf) =	vpush v3, $0x1;
	[smem:$0x7D2] =	sst s23  }
0x14c: {  	s0 =	sshra.s32 s31, $0x1F;
	s3 =	smul.u32 $0x14F8B589, s3;
	[smem:$0x7D3] =	sst s28  }
0x14d: {  	s29 =	sadd.s32 s1, s11;
	s21 =	smul.u32 $0x2E8BA2E9, s0;
	s1 =	sld [smem:$0x7C7];
	(v2sf) =	vpush v3, $0x2  }
0x14e: {  	s24 =	smulhi.u32 $0x2E8BA2E9, s6;
	[smem:$0x7CA] =	sst s4  }
0x14f: {  	s0 =	smul.u32 $0x14F8B589, s0;
	[smem:$0x7D0] =	sst s18  }
0x150: {  	s5 =	sshra.s32 s6, $0x1F;
	s6 =	smulhi.u32 $0x14F8B589, s6;
	[smem:$0x7D1] =	sst s22;
	(v2sf) =	vpush v3, $0x3  }
0x151: {  	[smem:$0x7D4] =	sst s3;
	s4 =	smulhi.u32 $0x14F8B589, s31  }
0x152: {  	s22 =	smul.u32 $0x2E8BA2E9, s5;
	[smem:$0x7D6] =	sst s0  }
0x153: {  	s0 =	smul.u32 $0x14F8B589, s5;
	(v2sf) =	vpush v3, $0x4;
	s7 =	spop (v2sf)  }
0x154: {  	s31 =	sld [smem:$0x7C6];
	(v2sf) =	vpush v3, $0x5;
	s16 =	smulhi.u32 $0x2E8BA2E9, s7  }
0x155: {  	[smem:$0x7D8] =	sst s0;
	s8 =	sshra.s32 s7, $0x1F;
	s0 =	smulhi.u32 $0x14F8B589, s7  }
0x156: {  	[smem:$0x7D7] =	sst s6;
	s20 =	smul.u32 $0x2E8BA2E9, s8  }
0x157: {  	s10 =	spop (v2sf);
	(v2sf) =	vpush v3, $0x6;
	s9 =	smul.u32 $0x14F8B589, s8  }
0x158: {  	s6 =	sld [smem:$0x7C8];
	s15 =	smulhi.u32 $0x2E8BA2E9, s10  }
0x159: {  	[smem:$0x7D5] =	sst s4;
	s12 =	sshra.s32 s10, $0x1F;
	s13 =	smulhi.u32 $0x14F8B589, s10  }
0x15a: {  	(v2sf) =	vpush v3, $0x7;
	s17 =	spop (v2sf);
	s14 =	smul.u32 $0x14F8B589, s12  }
0x15b: {  	[smem:$0x7D9] =	sst s0;
	s18 =	smulhi.u32 $0x2E8BA2E9, s17  }
0x15c: {  	s28 =	smulhi.u32 $0x14F8B589, s17;
	s2 =	spop (v2sf)  }
0x15d: {  	[smem:$0x7DB] =	sst s13;
	s13 =	smul.u32 $0x2E8BA2E9, s12  }
0x15e: {  	s23 =	sshra.s32 s17, $0x1F;
	[smem:$0x7DA] =	sst s9;
	s17 =	smulhi.u32 $0x2E8BA2E9, s2  }
0x15f: {  	s3 =	spop (v2sf);
	s12 =	sadd.s32 s31, s19;
	s31 =	sld [smem:$0x7C9]  }
0x160: {  	s4 =	sshra.s32 s2, $0x1F;
	[smem:$0x7DC] =	sst s14;
	s14 =	smul.u32 $0x2E8BA2E9, s23  }
0x161: {  	s19 =	sadd.s32 s6, s1;
	s6 =	sld [smem:$0x7CA];
	s8 =	smul.u32 $0x2E8BA2E9, s4  }
0x162: {  	s22 =	sadd.s32 s22, s24;
	s11 =	smulhi.u32 $0x2E8BA2E9, s3;
	s26 =	spop (v2sf)  }
0x163: {  	s5 =	sshra.s32 s3, $0x1F;
	s25 =	sadd.s32 s25, s31;
	s31 =	spop (v2sf)  }
0x164: {  	s20 =	sadd.s32 s20, s16;
	s10 =	smul.u32 $0x2E8BA2E9, s5;
	s1 =	sshra.s32 s31, $0x1F  }
0x165: {  	s9 =	smulhi.u32 $0x2E8BA2E9, s26;
	s7 =	sshra.s32 s26, $0x1F;
	[dreg:$0x17] =	wrdreg s1  }
0x166: {  	s15 =	sadd.s32 s13, s15;
	s24 =	smul.u32 $0x2E8BA2E9, s1;
	s1 =	spop (v2sf)  }
0x167: {  	[dreg:$0x1b] =	wrdreg s7;
	s7 =	smul.u32 $0x2E8BA2E9, s7;
	s0 =	sshra.s32 s1, $0x1F  }
0x168: {  	s18 =	sadd.s32 s14, s18;
	s16 =	smulhi.u32 $0x2E8BA2E9, s1;
	[dreg:$0x11] =	wrdreg s0  }
0x169: {  	s8 =	sadd.s32 s8, s17;
	s13 =	smul.u32 $0x2E8BA2E9, s0;
	s0 =	spop (v2sf)  }
0x16a: {  	[dreg:$0x14] =	wrdreg s1;
	s14 =	smulhi.u32 $0x2E8BA2E9, s0;
	s1 =	sshra.s32 s0, $0x1F  }
0x16b: {  	s11 =	sadd.s32 s10, s11;
	s10 =	sld [smem:$0x7CC];
	s17 =	smul.u32 $0x2E8BA2E9, s1  }
0x16c: {  	s9 =	sadd.s32 s7, s9;
	s7 =	sadd.s32 s13, s16;
	s13 =	sld [smem:$0x7CD]  }
0x16d: {  	s16 =	sadd.s32 s17, s14;
	s17 =	smul.u32 $0x14F8B589, s4;
	s4 =	sld [smem:$0x7CB]  }
0x16e: {  	s14 =	sld [smem:$0x7CE];
	_ =	sdelay $0x1  }
0x16f: {  	s21 =	sadd.s32 s21, s6;
	s10 =	sadd.s32 s10, s4;
	s4 =	sld [smem:$0x7CF]  }
0x170: {  	s6 =	smulhi.u32 $0x2E8BA2E9, s31;
	s14 =	sadd.s32 s14, s13;
	s13 =	sld [smem:$0x7D0]  }
0x171: {  	_ = 	snop  }
0x172: {  	s24 =	sadd.s32 s24, s6;
	s6 =	smulhi.u32 $0x14F8B589, s2  }
0x173: {  	s2 =	smulhi.u32 $0x14F8B589, s3;
	s3 =	sadd.s32 s13, s4;
	s4 =	sld [smem:$0x7D1]  }
0x174: {  	s13 =	sld [smem:$0x7D2];
	_ =	sdelay $0x1  }
0x175: {  	[smem:$0x7DD] =	sst s3  }
0x176: {  	s3 =	sadd.s32 s13, s4;
	s4 =	sld [smem:$0x7D3]  }
0x177: {  	s13 =	smul.u32 $0x14F8B589, s5;
	s5 =	sld [smem:$0x7D4]  }
0x178: {  	[smem:$0x7DE] =	sst s3  }
0x179: {  	s3 =	sld [smem:$0x7D5]  }
0x17a: {  	s5 =	sadd.s32 s5, s4;
	s4 =	sld [smem:$0x7D6];
	_ =	sdelay $0x2  }
0x17b: {  	s3 =	sadd.s32 s4, s3;
	s4 =	sld [smem:$0x7D8]  }
0x17c: {  	[smem:$0x7DF] =	sst s3  }
0x17d: {  	s3 =	sld [smem:$0x7D7]  }
0x17e: {  	s23 =	smul.u32 $0x14F8B589, s23  }
0x17f: {  	s0 =	smulhi.u32 $0x14F8B589, s0  }
0x180: {  	s1 =	smul.u32 $0x14F8B589, s1;
	s3 =	sadd.s32 s4, s3;
	s4 =	sld [smem:$0x7DA]  }
0x181: {  	s23 =	sadd.s32 s23, s28;
	[smem:$0x7E0] =	sst s3  }
0x182: {  	s17 =	sadd.s32 s17, s6;
	s6 =	sadd.s32 s1, s0;
	s3 =	sld [smem:$0x7D9]  }
0x183: {  	s0 =	sshra.s32 s16, $0x1F;
	s28 =	sadd.s32 s13, s2;
	s2 =	sshrl.u32 s29, $0x1F  }
0x184: {  	s1 =	sshrl.u32 s30, $0x1F;
	v31 =	vmov s0;
	s0 =	sshra.s32 s12, $0x1;
	s13 =	sshra.s32 s29, $0x1;
	v29 =	vmov s2  }
0x185: {  	s29 =	sshrl.u32 s12, $0x1F;
	v4 =	vsel vm0, s1, v29;
	s3 =	sadd.s32 s4, s3;
	s4 =	sld [smem:$0x7DC]  }
0x186: {  	s2 =	sshrl.u32 s19, $0x1F;
	v4 =	vsel vm1, s29, v4;
	s29 =	sshrl.u32 s21, $0x1F;
	[smem:$0x7E1] =	sst s3  }
0x187: {  	s12 =	sshra.s32 s25, $0x1;
	v4 =	vsel vm2, s2, v4;
	s2 =	sshrl.u32 s25, $0x1F;
	v32 =	vmov s29;
	s3 =	sld [smem:$0x7DB]  }
0x188: {  	v33 =	vmov s13;
	s13 =	sshra.s32 s24, $0x1;
	s1 =	sshra.s32 s19, $0x1;
	s29 =	sshrl.u32 s22, $0x1F;
	v7 =	vsel vm0, s2, v32  }
0x189: {  	s19 =	sshrl.u32 s18, $0x1F;
	s25 =	sshra.s32 s8, $0x1F;
	v7 =	vsel vm1, s29, v7;
	s29 =	sshra.s32 s22, $0x1  }
0x18a: {  	s4 =	sadd.s32 s4, s3;
	s3 =	sshra.s32 s30, $0x1;
	s30 =	sshrl.u32 s15, $0x1F  }
0x18b: {  	s22 =	smov.u32 s14;
	v30 =	vmov s30;
	s30 =	sshra.s32 s15, $0x1;
	v8 =	vsel vm0, s3, v33;
	s3 =	smulhi.u32 $0x14F8B589, s31  }
0x18c: {  	s31 =	sshra.s32 s23, $0x1F;
	v6 =	vsel vm3, s30, v31;
	v5 =	vnsel vm3, $0x0, v30;
	s30 =	sshra.s32 s15, $0x1F;
	s15 =	sshra.s32 s18, $0x1F  }
0x18d: {  	v8 =	vsel vm1, s0, v8;
	s0 =	smulhi.u32 $0x14F8B589, s26;
	v5 =	vsel vm0, s19, v5;
	v6 =	vsel vm9, s30, v6;
	s30 =	sshra.s32 s18, $0x1;
	s19 =	sshrl.u32 s8, $0x1F  }
0x18e: {  	s26 =	sshra.s32 s23, $0xD;
	s18 =	sshrl.u32 s9, $0x1F;
	v5 =	vsel vm1, s19, v5;
	v6 =	vsel vm0, s30, v6;
	s30 =	sshrl.u32 s11, $0x1F  }
0x18f: {  	s19 =	sshra.s32 s8, $0x1;
	s8 =	sshrl.u32 s20, $0x1F;
	v5 =	vsel vm2, s30, v5;
	v6 =	vsel vm10, s15, v6;
	s30 =	sshrl.u32 s24, $0x1F  }
0x190: {  	s15 =	sshrl.u32 s7, $0x1F;
	v7 =	vsel vm2, s8, v7;
	s8 =	sshrl.u32 s5, $0x1F;
	v5 =	vsel vm4, s18, v5;
	v6 =	vsel vm1, s19, v6;
	s18 =	sshra.s32 s11, $0x1  }
0x191: {  	s19 =	sshra.s32 s21, $0x1;
	s21 =	sshra.s32 s11, $0x1F;
	s11 =	sshra.s32 s20, $0x1;
	v6 =	vsel vm11, s25, v6  }
0x192: {  	s20 =	smov.u32 s10;
	v5 =	vsel vm5, s30, v5;
	s25 =	sshrl.u32 s16, $0x1F;
	s30 =	sshra.s32 s9, $0x1;
	v6 =	vsel vm2, s18, v6  }
0x193: {  	v34 =	vmov s19;
	s9 =	sshra.s32 s9, $0x1F;
	s19 =	sshrl.u32 s10, $0x1F;
	s10 =	sld [smem:$0x7DE];
	v6 =	vsel vm12, s21, v6  }
0x194: {  	v5 =	vsel vm6, s15, v5;
	s15 =	sshra.s32 s24, $0x1F;
	s18 =	sshra.s32 s7, $0x1;
	s24 =	sld [smem:$0x7DF];
	v6 =	vsel vm4, s30, v6  }
0x195: {  	v8 =	vsel vm2, s1, v8;
	v5 =	vsel vm7, s25, v5;
	s25 =	sshrl.u32 s14, $0x1F;
	s14 =	sld [smem:$0x7DD];
	s21 =	smov.u32 s5;
	v6 =	vsel vm13, s9, v6  }
0x196: {  	v4 =	vcombine.low v7, v4;
	s5 =	sld [smem:$0x7E0];
	s30 =	sshrl.u32 s10, $0x1F;
	v35 =	vmov s25;
	s25 =	sshrl.u32 s23, $0x1F;
	v6 =	vsel vm5, s13, v6  }
0x197: {  	v9 =	vsel vm0, s12, v34;
	s23 =	sshrl.u32 s28, $0x1F;
	v10 =	vsel vm0, s19, v35;
	s19 =	rddreg [dreg:$0x1b];
	s13 =	sshra.s32 s6, $0x1F;
	v6 =	vsel vm14, s15, v6  }
0x198: {  	v9 =	vsel vm1, s29, v9;
	s1 =	smul.u32 $0x14F8B589, s19;
	s19 =	sld [smem:$0x7E1];
	v36 =	vmov s13;
	v6 =	vsel vm6, s18, v6;
	s18 =	sshra.s32 s4, $0xD  }
0x199: {  	v4 =	vperm.xlane v4, v1;
	v9 =	vsel vm2, s11, v9;
	s29 =	sshrl.u32 s14, $0x1F;
	s15 =	sshrl.u32 s4, $0x1F;
	s4 =	sshra.s32 s4, $0x1F;
	v11 =	vsel vm3, s18, v36  }
0x19a: {  	s9 =	sshrl.u32 s24, $0x1F;
	s11 =	sshrl.u32 s5, $0x1F;
	v10 =	vsel vm1, s29, v10;
	s29 =	sshrl.u32 s17, $0x1F;
	v38 =	vmov s15;
	v11 =	vsel vm9, s4, v11  }
0x19b: {  	v37 =	vsel vm2, s30, v10;
	s30 =	rddreg [dreg:$0x17];
	s0 =	sadd.s32 s1, s0;
	s12 =	sshrl.u32 s19, $0x1F;
	v10 =	vnsel vm3, $0x0, v38;
	v11 =	vsel vm0, s26, v11  }
0x19c: {  	v8 =	vcombine.low v9, v8;
	s13 =	smul.u32 $0x14F8B589, s30;
	v39 =	vsel vm0, s25, v10;
	s25 =	rddreg [dreg:$0x14];
	s26 =	sshra.s32 s17, $0xD;
	v40 =	vsel vm10, s31, v11  }
0x19d: {  	v41 =	vmov s9;
	s30 =	sshra.s32 s17, $0x1F;
	s18 =	smulhi.u32 $0x14F8B589, s25;
	v9 =	vsel vm1, s29, v39;
	s29 =	rddreg [dreg:$0x11];
	v10 =	vsel vm1, s26, v40  }
0x19e: {  	s3 =	sadd.s32 s13, s3;
	s17 =	sshra.s32 s22, $0xD;
	v11 =	vsel vm0, s8, v41;
	v9 =	vsel vm2, s23, v9;
	s8 =	sshra.s32 s28, $0xD;
	v10 =	vsel vm11, s30, v10  }
0x19f: {  	s1 =	smul.u32 $0x14F8B589, s29;
	s31 =	sshrl.u32 s0, $0x1F;
	v42 =	vmov s17;
	v11 =	vsel vm1, s11, v11;
	s11 =	sshra.s32 s28, $0x1F;
	v10 =	vsel vm2, s8, v10  }
0x1a0: {  	s20 =	sshra.s32 s20, $0xD;
	s15 =	sshra.s32 s0, $0xD;
	s9 =	sshrl.u32 s3, $0x1F;
	v9 =	vsel vm4, s31, v9;
	v11 =	vsel vm2, s12, v11;
	v10 =	vsel vm12, s11, v10  }
0x1a1: {  	s0 =	sshra.s32 s0, $0x1F;
	s1 =	sadd.s32 s1, s18;
	v9 =	vsel vm5, s9, v9;
	s18 =	sshra.s32 s24, $0xD;
	v7 =	vcombine.low v11, v37;
	v10 =	vsel vm4, s15, v10  }
0x1a2: {  	s22 =	sshra.s32 s21, $0xD;
	s23 =	sshra.s32 s3, $0xD;
	s13 =	sshrl.u32 s1, $0x1F;
	v43 =	vmov s18;
	v11 =	vsel vm0, s20, v42;
	v10 =	vsel vm13, s0, v10  }
0x1a3: {  	s25 =	sshra.s32 s5, $0xD;
	s26 =	sshra.s32 s3, $0x1F;
	s24 =	sshra.s32 s14, $0xD;
	v9 =	vsel vm6, s13, v9;
	v12 =	vsel vm0, s22, v43;
	v10 =	vsel vm5, s23, v10  }
0x1a4: {  	s29 =	sshra.s32 s19, $0xD;
	s28 =	sshra.s32 s10, $0xD;
	s30 =	sshra.s32 s1, $0xD;
	v11 =	vsel vm1, s24, v11;
	v12 =	vsel vm1, s25, v12;
	v10 =	vsel vm14, s26, v10  }
0x1a5: {  	s31 =	sshrl.u32 s6, $0x1F;
	s1 =	sshra.s32 s1, $0x1F;
	v11 =	vsel vm2, s28, v11;
	v12 =	vsel vm2, s29, v12;
	v10 =	vsel vm6, s30, v10  }
0x1a6: {  	s2 =	sshra.s32 s6, $0xD;
	v9 =	vsel vm7, s31, v9;
	v11 =	vcombine.low v12, v11;
	v10 =	vsel vm15, s1, v10  }
0x1a7: {  	s3 =	sshra.s32 s7, $0x1F;
	v7 =	vperm.xlane v7, v1;
	v9 =	vperm.xlane v9, v2;
	v10 =	vsel vm7, s2, v10  }
0x1a8: {  	s4 =	sshra.s32 s16, $0x1;
	v6 =	vsel vm15, s3, v6;
	v11 =	vperm.xlane v11, v1;
	v10 =	vperm.xlane v10, v2  }
0x1a9: {  	v5 =	vperm.xlane v5, v2;
	v8 =	vperm.xlane v8, v1;
	v6 =	vsel vm7, s4, v6  }
0x1aa: {  	v6 =	vperm.xlane v6, v2;
	v7 =	vsel vm8, v9, v7;
	v44 =	vsel vm8, v10, v11  }
0x1ab: {  	v4 =	vsel vm8, v5, v4;
	s5 =	rddreg [dreg:$0xe];
	v45 =	vadd.s32 v7, v44  }
0x1ac: {  	v46 =	vor.u32 s5, v0;
	v6 =	vsel vm8, v6, v8;
	v5 =	vmul.u32 $0x186A0, v45  }
0x1ad: {  	v47 =	vmulhi.u32 $0x4EC4EC4F, v46;
	s6 =	rddreg [dreg:$0xc];
	v4 =	vadd.s32 v4, v6  }
0x1ae: {  	s7 =	rddreg [dreg:$0xd];
	[tilespmem:s6+$0x0] =	vst v4;
	v3 =	vsub.s32 v3, v5  }
0x1af: {  	s8 =	rddreg [dreg:$0xb];
	[tilespmem:s7+$0x0] =	vst v3;
	v3 =	vshrl.u32 v47, $0x3  }
0x1b0: {  	v4 =	vld [tilespmem:s8+$0x10];
	v3 =	vmul.u32 $0x1A, v3;
	_ =	sdelay $0x1  }
0x1b1: {  	v3 =	vsub.s32 v46, v3  }
0x1b2: {  	v3 =	vmul.u32 $0x9C40, v3;
	_ =	sdelay $0x1  }
0x1b3: {  	v3 =	vadd.s32 v3, v4  }
0x1b4: {  	(v2sf) =	vpush v3, $0xD;
	_ =	sdelay $0x2  }
0x1b5: {  	(v2sf) =	vpush v3, $0xC;
	_ =	sdelay $0x3  }
0x1b6: {  	(v2sf) =	vpush v3, $0xE;
	_ =	sdelay $0x2  }
0x1b7: {  	(v2sf) =	vpush v3, $0xF;
	_ =	sdelay $0x1  }
0x1b8: {  	(v2sf) =	vpush v3, $0x9  }
0x1b9: {  	(v2sf) =	vpush v3, $0x8;
	_ =	sdelay $0x1  }
0x1ba: {  	s9 =	spop (v2sf)  }
0x1bb: {  	s10 =	smulhi.u32 $0x2E8BA2E9, s9  }
0x1bc: {  	(v2sf) =	vpush v3, $0xA;
	s11 =	sshra.s32 s9, $0x1F;
	s0 =	smulhi.u32 $0x14F8B589, s9  }
0x1bd: {  	s14 =	spop (v2sf);
	s3 =	smul.u32 $0x2E8BA2E9, s11  }
0x1be: {  	s13 =	smulhi.u32 $0x2E8BA2E9, s14  }
0x1bf: {  	s6 =	smul.u32 $0x14F8B589, s11  }
0x1c0: {  	s15 =	sshra.s32 s14, $0x1F;
	s14 =	smulhi.u32 $0x14F8B589, s14  }
0x1c1: {  	s16 =	spop (v2sf);
	s31 =	smul.u32 $0x2E8BA2E9, s15  }
0x1c2: {  	s17 =	smulhi.u32 $0x2E8BA2E9, s16  }
0x1c3: {  	s15 =	smul.u32 $0x14F8B589, s15  }
0x1c4: {  	s18 =	sshra.s32 s16, $0x1F;
	s12 =	spop (v2sf);
	s16 =	smulhi.u32 $0x14F8B589, s16  }
0x1c5: {  	[smem:$0x7E6] =	sst s0;
	s4 =	smul.u32 $0x2E8BA2E9, s18  }
0x1c6: {  	s22 =	smulhi.u32 $0x2E8BA2E9, s12;
	s24 =	spop (v2sf)  }
0x1c7: {  	s20 =	sshra.s32 s12, $0x1F;
	s18 =	smul.u32 $0x14F8B589, s18;
	s28 =	spop (v2sf);
	(v2sf) =	vpush v3, $0xB  }
0x1c8: {  	[smem:$0x7E7] =	sst s6;
	s19 =	smul.u32 $0x2E8BA2E9, s20  }
0x1c9: {  	[smem:$0x7E8] =	sst s14;
	s21 =	smulhi.u32 $0x2E8BA2E9, s24  }
0x1ca: {  	s26 =	sshra.s32 s24, $0x1F;
	[smem:$0x7E9] =	sst s15;
	s20 =	smul.u32 $0x14F8B589, s20  }
0x1cb: {  	s8 =	smul.u32 $0x2E8BA2E9, s26;
	s30 =	spop (v2sf);
	(v2sf) =	vpush v3, $0x0  }
0x1cc: {  	[smem:$0x7EA] =	sst s16;
	s23 =	smulhi.u32 $0x2E8BA2E9, s28  }
0x1cd: {  	[smem:$0x7EB] =	sst s18;
	s25 =	smulhi.u32 $0x2E8BA2E9, s30  }
0x1ce: {  	[smem:$0x7E2] =	sst s19;
	s19 =	smulhi.u32 $0x14F8B589, s12  }
0x1cf: {  	[smem:$0x7E3] =	sst s21;
	(v2sf) =	vpush v3, $0x1;
	s21 =	smulhi.u32 $0x14F8B589, s24  }
0x1d0: {  	s29 =	sshra.s32 s28, $0x1F;
	[smem:$0x7ED] =	sst s20;
	s24 =	smul.u32 $0x14F8B589, s26  }
0x1d1: {  	s31 =	sadd.s32 s31, s13;
	s26 =	smul.u32 $0x14F8B589, s29;
	[smem:$0x7E4] =	sst s23;
	(v2sf) =	vpush v3, $0x2  }
0x1d2: {  	s13 =	sadd.s32 s4, s17;
	s23 =	smul.u32 $0x2E8BA2E9, s29;
	s17 =	sld [smem:$0x7E2]  }
0x1d3: {  	[smem:$0x7E5] =	sst s25;
	s25 =	smulhi.u32 $0x14F8B589, s28  }
0x1d4: {  	[smem:$0x7EC] =	sst s19;
	s28 =	sshra.s32 s30, $0x1F;
	s30 =	smulhi.u32 $0x14F8B589, s30;
	(v2sf) =	vpush v3, $0x3  }
0x1d5: {  	[smem:$0x7EE] =	sst s21;
	s29 =	smul.u32 $0x2E8BA2E9, s28;
	(v2sf) =	vpush v3, $0x4  }
0x1d6: {  	s0 =	smul.u32 $0x14F8B589, s28;
	s2 =	spop (v2sf)  }
0x1d7: {  	[smem:$0x7EF] =	sst s24;
	s21 =	smulhi.u32 $0x2E8BA2E9, s2  }
0x1d8: {  	[smem:$0x7F3] =	sst s0;
	s5 =	sshra.s32 s2, $0x1F;
	s0 =	smulhi.u32 $0x14F8B589, s2  }
0x1d9: {  	[smem:$0x7F1] =	sst s26;
	s24 =	smul.u32 $0x2E8BA2E9, s5  }
0x1da: {  	s7 =	spop (v2sf);
	s6 =	smul.u32 $0x14F8B589, s5  }
0x1db: {  	s1 =	sld [smem:$0x7E4];
	(v2sf) =	vpush v3, $0x5;
	s19 =	smulhi.u32 $0x2E8BA2E9, s7  }
0x1dc: {  	[smem:$0x7F0] =	sst s25;
	(v2sf) =	vpush v3, $0x6;
	s9 =	sshra.s32 s7, $0x1F;
	s11 =	smulhi.u32 $0x14F8B589, s7  }
0x1dd: {  	[smem:$0x7F2] =	sst s30;
	s18 =	smul.u32 $0x2E8BA2E9, s9  }
0x1de: {  	(v2sf) =	vpush v3, $0x7;
	s14 =	spop (v2sf);
	s12 =	smul.u32 $0x14F8B589, s9  }
0x1df: {  	s30 =	sld [smem:$0x7E3];
	s20 =	smulhi.u32 $0x2E8BA2E9, s14  }
0x1e0: {  	s15 =	sshra.s32 s14, $0x1F;
	s16 =	smulhi.u32 $0x14F8B589, s14;
	s2 =	spop (v2sf)  }
0x1e1: {  	s17 =	sadd.s32 s17, s22;
	[smem:$0x7F5] =	sst s6;
	s14 =	smul.u32 $0x2E8BA2E9, s15  }
0x1e2: {  	s23 =	sadd.s32 s23, s1;
	[smem:$0x7F6] =	sst s11;
	s28 =	smul.u32 $0x14F8B589, s15  }
0x1e3: {  	s15 =	sadd.s32 s3, s10;
	s3 =	spop (v2sf);
	[smem:$0x7F8] =	sst s16  }
0x1e4: {  	s6 =	sshra.s32 s2, $0x1F;
	s16 =	smulhi.u32 $0x2E8BA2E9, s2;
	s25 =	spop (v2sf)  }
0x1e5: {  	[smem:$0x7F7] =	sst s12;
	s12 =	smul.u32 $0x2E8BA2E9, s6;
	s26 =	sshra.s32 s25, $0x1F  }
0x1e6: {  	s22 =	sadd.s32 s8, s30;
	s11 =	smulhi.u32 $0x2E8BA2E9, s3;
	[smem:$0x7F9] =	sst s26  }
0x1e7: {  	s5 =	sshra.s32 s3, $0x1F;
	s8 =	smul.u32 $0x2E8BA2E9, s26;
	s26 =	sld [smem:$0x7E5]  }
0x1e8: {  	[smem:$0x7F4] =	sst s0;
	s24 =	sadd.s32 s24, s21;
	s9 =	smul.u32 $0x2E8BA2E9, s5  }
0x1e9: {  	s18 =	sadd.s32 s18, s19;
	s10 =	smulhi.u32 $0x2E8BA2E9, s25;
	s20 =	sadd.s32 s14, s20  }
0x1ea: {  	s16 =	sadd.s32 s12, s16;
	s26 =	sadd.s32 s29, s26;
	s30 =	spop (v2sf)  }
0x1eb: {  	s7 =	smulhi.u32 $0x2E8BA2E9, s30;
	s4 =	sshra.s32 s30, $0x1F;
	s29 =	spop (v2sf)  }
0x1ec: {  	[dreg:$0x1f] =	wrdreg s4;
	s21 =	smulhi.u32 $0x2E8BA2E9, s29;
	s1 =	sshra.s32 s29, $0x1F  }
0x1ed: {  	s11 =	sadd.s32 s9, s11;
	s0 =	spop (v2sf);
	s19 =	smul.u32 $0x2E8BA2E9, s1  }
0x1ee: {  	[dreg:$0x1c] =	wrdreg s1;
	s14 =	smulhi.u32 $0x2E8BA2E9, s0;
	s1 =	sshra.s32 s0, $0x1F  }
0x1ef: {  	s12 =	smul.u32 $0x2E8BA2E9, s1;
	s9 =	sadd.s32 s19, s21;
	s19 =	sld [smem:$0x7E6]  }
0x1f0: {  	s4 =	smul.u32 $0x2E8BA2E9, s4;
	s21 =	sld [smem:$0x7E7]  }
0x1f1: {  	s8 =	sadd.s32 s8, s10;
	s10 =	sadd.s32 s12, s14;
	s12 =	sld [smem:$0x7E8]  }
0x1f2: {  	s7 =	sadd.s32 s4, s7;
	s14 =	sld [smem:$0x7E9]  }
0x1f3: {  	s4 =	smulhi.u32 $0x14F8B589, s2;
	s2 =	sadd.s32 s21, s19;
	s19 =	sld [smem:$0x7EA]  }
0x1f4: {  	s21 =	sld [smem:$0x7EB]  }
0x1f5: {  	[smem:$0x7FA] =	sst s2  }
0x1f6: {  	s2 =	sadd.s32 s14, s12;
	s12 =	smulhi.u32 $0x14F8B589, s3;
	s3 =	sld [smem:$0x7EC]  }
0x1f7: {  	s14 =	sld [smem:$0x7ED]  }
0x1f8: {  	[smem:$0x7FB] =	sst s2  }
0x1f9: {  	s2 =	sadd.s32 s21, s19;
	s19 =	sld [smem:$0x7EE]  }
0x1fa: {  	s21 =	sld [smem:$0x7EF]  }
0x1fb: {  	[smem:$0x7FC] =	sst s2  }
0x1fc: {  	s2 =	sadd.s32 s14, s3;
	s3 =	sld [smem:$0x7F0]  }
0x1fd: {  	s14 =	sld [smem:$0x7F1]  }
0x1fe: {  	[smem:$0x7FD] =	sst s2  }
0x1ff: {  	s2 =	sadd.s32 s21, s19;
	s19 =	sld [smem:$0x7F2]  }
0x200: {  	s21 =	sld [smem:$0x7F3]  }
0x201: {  	s6 =	smul.u32 $0x14F8B589, s6;
	[dreg:$0x1e] =	wrdreg s2  }
0x202: {  	s5 =	smul.u32 $0x14F8B589, s5;
	s3 =	sadd.s32 s14, s3;
	s2 =	sld [smem:$0x7F8]  }
0x203: {  	s14 =	smulhi.u32 $0x14F8B589, s0;
	s0 =	sadd.s32 s21, s19;
	s19 =	sld [smem:$0x7F4]  }
0x204: {  	s1 =	smul.u32 $0x14F8B589, s1;
	s4 =	sadd.s32 s6, s4;
	s21 =	sld [smem:$0x7F5]  }
0x205: {  	[dreg:$0x1d] =	wrdreg s0;
	s28 =	sadd.s32 s28, s2;
	s2 =	sadd.s32 s5, s12  }
0x206: {  	s5 =	sadd.s32 s1, s14;
	s14 =	sshrl.u32 s15, $0x1F;
	s1 =	sshra.s32 s15, $0x1  }
0x207: {  	s15 =	sshrl.u32 s31, $0x1F;
	s0 =	sadd.s32 s21, s19;
	s19 =	sld [smem:$0x7F6]  }
0x208: {  	s12 =	sshrl.u32 s18, $0x1F;
	v50 =	vmov s15;
	s15 =	sshrl.u32 s23, $0x1F;
	s21 =	sld [smem:$0x7F7]  }
0x209: {  	s6 =	sshra.s32 s13, $0x1;
	v49 =	vmov s12;
	s12 =	sshra.s32 s17, $0x1;
	v54 =	vmov s15;
	s15 =	smulhi.u32 $0x14F8B589, s25  }
0x20a: {  	v6 =	vsel vm0, s14, v50;
	s14 =	sshra.s32 s23, $0x1;
	s25 =	smulhi.u32 $0x14F8B589, s30;
	s30 =	rddreg [dreg:$0x1f]  }
0x20b: {  	s23 =	sshra.s32 s16, $0x1;
	[dreg:$0x18] =	wrdreg s0;
	s21 =	sadd.s32 s21, s19  }
0x20c: {  	s19 =	sshra.s32 s31, $0x1;
	s31 =	sshrl.u32 s13, $0x1F;
	s13 =	sshra.s32 s10, $0x1F  }
0x20d: {  	s0 =	sshra.s32 s18, $0x1;
	s18 =	sshra.s32 s18, $0x1F;
	v48 =	vmov s13;
	s13 =	sshrl.u32 s17, $0x1F  }
0x20e: {  	v56 =	vmov s14;
	s17 =	sshrl.u32 s22, $0x1F;
	v6 =	vsel vm1, s31, v6;
	s31 =	sshra.s32 s16, $0x1F;
	s14 =	sshrl.u32 s21, $0x1F;
	v4 =	vsel vm3, s0, v48  }
0x20f: {  	v5 =	vnsel vm3, $0x0, v49;
	v55 =	vmov s19;
	s0 =	sshra.s32 s22, $0x1;
	s22 =	sshra.s32 s20, $0x1;
	v4 =	vsel vm9, s18, v4;
	s18 =	sshrl.u32 s20, $0x1F  }
0x210: {  	s19 =	sshra.s32 s5, $0x1F;
	v52 =	vsel vm2, s13, v6;
	v5 =	vsel vm0, s18, v5;
	v4 =	vsel vm0, s22, v4;
	s22 =	sshra.s32 s20, $0x1F;
	s20 =	sshrl.u32 s16, $0x1F  }
0x211: {  	s13 =	sshra.s32 s26, $0x1;
	v7 =	vsel vm0, s17, v54;
	s17 =	sshrl.u32 s10, $0x1F;
	v5 =	vsel vm1, s20, v5;
	v51 =	vsel vm10, s22, v4;
	s22 =	sshrl.u32 s11, $0x1F  }
0x212: {  	v57 =	vmov s14;
	s14 =	sld [smem:$0x7FD];
	s16 =	sshrl.u32 s26, $0x1F;
	s20 =	sshrl.u32 s8, $0x1F;
	v5 =	vsel vm2, s22, v5  }
0x213: {  	v9 =	vsel vm0, s0, v56;
	s26 =	sshrl.u32 s24, $0x1F;
	s18 =	sshra.s32 s8, $0x1;
	v53 =	vsel vm1, s23, v51;
	s22 =	sshrl.u32 s7, $0x1F;
	v5 =	vsel vm4, s20, v5  }
0x214: {  	v7 =	vsel vm1, s16, v7;
	s16 =	sld [smem:$0x7FC];
	s23 =	sshra.s32 s11, $0x1;
	v6 =	vsel vm11, s31, v53;
	s31 =	sshrl.u32 s9, $0x1F;
	v5 =	vsel vm5, s22, v5  }
0x215: {  	v9 =	vsel vm1, s13, v9;
	s13 =	sshrl.u32 s2, $0x1F;
	s11 =	sshra.s32 s11, $0x1F;
	v6 =	vsel vm2, s23, v6;
	s22 =	sld [smem:$0x7F9];
	v5 =	vsel vm6, s31, v5  }
0x216: {  	s8 =	sshra.s32 s8, $0x1F;
	s20 =	sshra.s32 s7, $0x1;
	v6 =	vsel vm12, s11, v6;
	v5 =	vsel vm7, s17, v5;
	s17 =	sld [smem:$0x7FA]  }
0x217: {  	s7 =	sshra.s32 s7, $0x1F;
	s23 =	sshra.s32 s9, $0x1;
	v6 =	vsel vm4, s18, v6;
	s18 =	sld [smem:$0x7FB]  }
0x218: {  	v8 =	vsel vm0, s1, v55;
	v7 =	vsel vm2, s26, v7;
	s11 =	sshra.s32 s24, $0x1;
	s24 =	sshra.s32 s9, $0x1F;
	s31 =	sshrl.u32 s16, $0x1F;
	v6 =	vsel vm13, s8, v6  }
0x219: {  	v58 =	vmov s19;
	v4 =	vcombine.low v7, v52;
	s8 =	smul.u32 $0x14F8B589, s22;
	s22 =	sshra.s32 s21, $0xD;
	v6 =	vsel vm5, s20, v6;
	s20 =	sshrl.u32 s14, $0x1F  }
0x21a: {  	v8 =	vsel vm1, s6, v8;
	v10 =	vnsel vm3, $0x0, v57;
	s9 =	sshrl.u32 s17, $0x1F;
	v6 =	vsel vm14, s7, v6;
	s26 =	sshrl.u32 s18, $0x1F;
	s7 =	smul.u32 $0x14F8B589, s30  }
0x21b: {  	v8 =	vsel vm2, s12, v8;
	v4 =	vperm.xlane v4, v1;
	v9 =	vsel vm2, s11, v9;
	s8 =	sadd.s32 s8, s15;
	s30 =	sshra.s32 s28, $0xD;
	s15 =	sshra.s32 s28, $0x1F  }
0x21c: {  	v8 =	vcombine.low v9, v8;
	v11 =	vsel vm3, s22, v58;
	s6 =	sshra.s32 s18, $0xD;
	v59 =	vmov s26;
	s1 =	sadd.s32 s7, s25;
	s25 =	sshra.s32 s21, $0x1F  }
0x21d: {  	s18 =	sshra.s32 s16, $0xD;
	v6 =	vsel vm6, s23, v6;
	s23 =	sshrl.u32 s28, $0x1F;
	s26 =	sshrl.u32 s4, $0x1F;
	v12 =	vsel vm0, s9, v59;
	v11 =	vsel vm9, s25, v11  }
0x21e: {  	s19 =	sshrl.u32 s8, $0x1F;
	s28 =	sshra.s32 s2, $0xD;
	s2 =	sshra.s32 s2, $0x1F;
	v6 =	vsel vm15, s24, v6;
	v12 =	vsel vm1, s31, v12;
	v11 =	vsel vm0, s30, v11  }
0x21f: {  	s12 =	sshra.s32 s8, $0xD;
	s24 =	smulhi.u32 $0x14F8B589, s29;
	v10 =	vsel vm0, s23, v10;
	v12 =	vsel vm2, s20, v12;
	s20 =	sshra.s32 s4, $0xD;
	v11 =	vsel vm10, s15, v11  }
0x220: {  	v14 =	vmov s6;
	s29 =	rddreg [dreg:$0x1c];
	v10 =	vsel vm1, s26, v10;
	s31 =	sshrl.u32 s3, $0x1F;
	s4 =	sshra.s32 s4, $0x1F;
	v11 =	vsel vm1, s20, v11  }
0x221: {  	s21 =	rddreg [dreg:$0x1e];
	s9 =	smul.u32 $0x14F8B589, s29;
	s3 =	sshra.s32 s3, $0xD;
	v10 =	vsel vm2, s13, v10;
	v13 =	vmov s31;
	v11 =	vsel vm11, s4, v11  }
0x222: {  	s22 =	sshrl.u32 s21, $0x1F;
	s23 =	sshrl.u32 s1, $0x1F;
	v15 =	vmov s3;
	s13 =	sshra.s32 s17, $0xD;
	v10 =	vsel vm4, s19, v10;
	v11 =	vsel vm2, s28, v11  }
0x223: {  	s0 =	sadd.s32 s9, s24;
	v13 =	vsel vm0, s22, v13;
	s24 =	rddreg [dreg:$0x1d];
	s15 =	sshra.s32 s21, $0xD;
	v14 =	vsel vm0, s13, v14;
	v11 =	vsel vm12, s2, v11  }
0x224: {  	s29 =	rddreg [dreg:$0x18];
	s17 =	sshra.s32 s8, $0x1F;
	s25 =	sshrl.u32 s24, $0x1F;
	v10 =	vsel vm5, s23, v10;
	v15 =	vsel vm0, s15, v15;
	v11 =	vsel vm4, s12, v11  }
0x225: {  	s26 =	sshrl.u32 s0, $0x1F;
	s19 =	sshra.s32 s24, $0xD;
	s20 =	sshra.s32 s1, $0xD;
	v14 =	vsel vm1, s18, v14;
	v13 =	vsel vm1, s25, v13;
	v11 =	vsel vm13, s17, v11  }
0x226: {  	s30 =	sshrl.u32 s29, $0x1F;
	s21 =	sshra.s32 s14, $0xD;
	s1 =	sshra.s32 s1, $0x1F;
	v10 =	vsel vm6, s26, v10;
	v15 =	vsel vm1, s19, v15;
	v11 =	vsel vm5, s20, v11  }
0x227: {  	s22 =	sshra.s32 s29, $0xD;
	s24 =	sshra.s32 s0, $0xD;
	v14 =	vsel vm2, s21, v14;
	v13 =	vsel vm2, s30, v13;
	v11 =	vsel vm14, s1, v11  }
0x228: {  	s31 =	sshrl.u32 s5, $0x1F;
	s0 =	sshra.s32 s0, $0x1F;
	v15 =	vsel vm2, s22, v15;
	v60 =	vcombine.low v13, v12;
	v11 =	vsel vm6, s24, v11  }
0x229: {  	s26 =	sshra.s32 s5, $0xD;
	v10 =	vsel vm7, s31, v10;
	v61 =	vcombine.low v15, v14;
	v11 =	vsel vm15, s0, v11  }
0x22a: {  	v10 =	vperm.xlane v10, v2;
	v7 =	vperm.xlane v60, v1;
	v11 =	vsel vm7, s26, v11  }
0x22b: {  	s29 =	rddreg [dreg:$0xa];
	s28 =	sshra.s32 s10, $0x1;
	v9 =	vperm.xlane v61, v1;
	v11 =	vperm.xlane v11, v2  }
0x22c: {  	v5 =	vperm.xlane v5, v2;
	v8 =	vperm.xlane v8, v1;
	v6 =	vsel vm7, s28, v6;
	s0 =	sadd.s32 $0x4, s29  }
0x22d: {  	s23 =	rddreg [dreg:$0xe];
	v6 =	vperm.xlane v6, v2;
	v7 =	vsel vm8, v10, v7;
	p0 =	slt.u32 s0, $0xCC;
	v9 =	vsel vm8, v11, v9  }
.Ltmp2:
0x22e: {  	s25 =	rddreg [dreg:$0xb];
	v7 =	vadd.s32 v7, v9;
	(pc) =	sbr.rel @p0 .LBB2_2-.Ltmp2, $4  }
0x22f: {  	v4 =	vsel vm8, v5, v4;
	s30 =	rddreg [dreg:$0xc];
	v62 =	vsel vm8, v6, v8;
	v63 =	vmul.u32 $0x186A0, v7  }
0x230: {  	s31 =	rddreg [dreg:$0xd];
	s3 =	sadd.s32 $0x40, s30;
	v4 =	vadd.s32 v4, v62  }
0x231: {  	s4 =	sadd.s32 $0x40, s31;
	[dreg:$0xc] =	wrdreg s3;
	[tilespmem:s30+$0x10] =	vst v4;
	v3 =	vsub.s32 v3, v63  }
0x232: {  	s2 =	sadd.s32 $0x40, s23;
	[dreg:$0xd] =	wrdreg s4;
	s1 =	sadd.s32 $0x40, s25;
	[tilespmem:s31+$0x10] =	vst v3  }
0x233: {  	s16 =	rddreg [dreg:$0x3];
	s6 =	simm.s32 $0x68;
	s0 =	simm.s32 $0xD00  }
0x234: {  	s1 =	simm.s32 $0x2700;
	s17 =	rddreg [dreg:$0x4];
	s23 =	simm.s32 $0x1A00  }
0x235: {  	s24 =	simm.s32 $0x5B00;
	s25 =	simm.s32 $0xD68;
	s19 =	simm.s32 $0xCF00  }
0x236: {  	s26 =	simm.s32 $0x1A68;
	s20 =	simm.s32 $0x10300;
	s10 =	simm.s32 $0x0  }
0x237: {  	[tilespmem:s1], [sflag:$0x1] =	stream.indirect.gather [hbm4b:s16+s6], $0x80, s0, s6, $0xb8;
	[tilespmem:$0x17700] =	vst v63  }
0x238: {  	s18 =	rddreg [dreg:$0x6];
	s21 =	simm.s32 $0x1;
	s22 =	simm.s32 $0x8F00  }
0x239: {  	[tilespmem:s24], [sflag:$0x1] =	stream.indirect.gather [hbm4b:s17+s6], $0x80, s23, s6, $0xb8;
	[tilespmem:$0x17700] =	vst v63  }
0x23a: {  	s28 =	simm.s32 $0x13700;
	s29 =	simm.s32 $0x14700;
	s30 =	simm.s32 $0x15700  }
0x23b: {  	[tilespmem:s19], [sflag:$0x2] =	stream.indirect.gather [hbm4b:s16+s6], $0x80, s25, s6, $0xb8;
	[tilespmem:$0x17700] =	vst v63  }
0x23c: {  	s31 =	simm.s32 $0x16700;
	s1 =	simm.s32 $0x0;
	s23 =	simm.s32 $0x9F00  }
0x23d: {  	[tilespmem:s20], [sflag:$0x2] =	stream.indirect.gather [hbm4b:s17+s6], $0x80, s26, s6, $0xb8;
	[tilespmem:$0x17700] =	vst v63  }
0x23e: {  	s24 =	simm.s32 $0xAF00;
	s25 =	simm.s32 $0xBF00;
	s26 =	simm.s32 $0x2  }
.LBB2_4:
0x23f: {  	_ =	swait.ge [sflag:s21], $0x3400  }
0x240: {  	[sflag:s21] =	ssyncset.done $0x0  }
0x241: {  	[sflag:s21] =	ssyncadd.s32 $0xFFFFCC00  }
0x242: {  	_ =	swait.ge [sflag:s21], $0x3400  }
0x243: {  	s5 =	simm.s32 $0x5B80;
	s7 =	simm.s32 $0x2780;
	[sflag:s21] =	ssyncset.done $0x0  }
0x244: {  	s8 =	simm.s32 $0x8F80;
	s9 =	simm.s32 $0x0;
	[sflag:s21] =	ssyncadd.s32 $0xFFFFCC00  }
.LBB2_5:
0x245: {  	v3 =	vld [tilespmem:s7+$0xFFFFFF80]  }
0x246: {  	v4 =	vld [tilespmem:s5+$0xFFFFFF80];
	_ =	sdelay $0x4  }
0x247: {  	v3 =	vadd.f32 v4, v3;
	_ =	sdelay $0x1  }
0x248: {  	[tilespmem:s8+$0xFFFFFF80] =	vst v3  }
0x249: {  	v3 =	vld [tilespmem:s5+$0xFFFFFF90]  }
0x24a: {  	v4 =	vld [tilespmem:s7+$0xFFFFFF90];
	_ =	sdelay $0x4  }
0x24b: {  	v3 =	vadd.f32 v3, v4;
	_ =	sdelay $0x1  }
0x24c: {  	[tilespmem:s8+$0xFFFFFF90] =	vst v3  }
0x24d: {  	v3 =	vld [tilespmem:s7+$0xFFFFFFA0]  }
0x24e: {  	v4 =	vld [tilespmem:s5+$0xFFFFFFA0];
	_ =	sdelay $0x4  }
0x24f: {  	v3 =	vadd.f32 v4, v3;
	_ =	sdelay $0x1  }
0x250: {  	[tilespmem:s8+$0xFFFFFFA0] =	vst v3  }
0x251: {  	v3 =	vld [tilespmem:s7+$0xFFFFFFB0]  }
0x252: {  	v4 =	vld [tilespmem:s5+$0xFFFFFFB0];
	_ =	sdelay $0x4  }
0x253: {  	v3 =	vadd.f32 v4, v3;
	_ =	sdelay $0x1  }
0x254: {  	[tilespmem:s8+$0xFFFFFFB0] =	vst v3  }
0x255: {  	v3 =	vld [tilespmem:s7+$0x0]  }
0x256: {  	v4 =	vld [tilespmem:s5+$0x0];
	_ =	sdelay $0x4  }
0x257: {  	v3 =	vadd.f32 v4, v3;
	_ =	sdelay $0x1  }
0x258: {  	[tilespmem:s8+$0x0] =	vst v3  }
0x259: {  	v3 =	vld [tilespmem:s7+$0x10]  }
0x25a: {  	v4 =	vld [tilespmem:s5+$0x10];
	_ =	sdelay $0x4  }
0x25b: {  	v3 =	vadd.f32 v4, v3;
	_ =	sdelay $0x1  }
0x25c: {  	[tilespmem:s8+$0x10] =	vst v3  }
0x25d: {  	v3 =	vld [tilespmem:s7+$0x20]  }
0x25e: {  	v4 =	vld [tilespmem:s5+$0x20];
	_ =	sdelay $0x4  }
0x25f: {  	v3 =	vadd.f32 v4, v3;
	_ =	sdelay $0x1  }
0x260: {  	s0 =	simm.s32 $0x0;
	s13 =	sadd.s32 $0x100, s8;
	[tilespmem:s8+$0x20] =	vst v3  }
0x261: {  	s12 =	smov.u32 s5;
	s14 =	smov.u32 s7;
	s11 =	smov.u32 s8;
	v3 =	vld [tilespmem:s7+$0x30]  }
.LBB2_6:
0x262: {  	s0 =	sadd.s32 $0x2, s0;
	v4 =	vld [tilespmem:s12+$0x30];
	s12 =	sadd.s32 $0x100, s12;
	s14 =	sadd.s32 $0x100, s14  }
0x263: {  	p0 =	slt.u32 s0, $0x18;
	_ =	sdelay $0x3  }
0x264: {  	v3 =	vadd.f32 v4, v3;
	_ =	sdelay $0x1  }
0x265: {  	[tilespmem:s11+$0x30] =	vst v3;
	s11 =	smov.u32 s13  }
0x266: {  	v3 =	vld [tilespmem:s14+$0xFFFFFF80]  }
0x267: {  	v4 =	vld [tilespmem:s12+$0xFFFFFF80];
	_ =	sdelay $0x4  }
0x268: {  	v3 =	vadd.f32 v4, v3;
	_ =	sdelay $0x1  }
0x269: {  	[tilespmem:s13+$0xFFFFFF80] =	vst v3  }
0x26a: {  	v3 =	vld [tilespmem:s12+$0xFFFFFF90]  }
0x26b: {  	v4 =	vld [tilespmem:s14+$0xFFFFFF90];
	_ =	sdelay $0x4  }
0x26c: {  	v3 =	vadd.f32 v3, v4;
	_ =	sdelay $0x1  }
0x26d: {  	[tilespmem:s13+$0xFFFFFF90] =	vst v3  }
0x26e: {  	v3 =	vld [tilespmem:s14+$0xFFFFFFA0]  }
0x26f: {  	v4 =	vld [tilespmem:s12+$0xFFFFFFA0];
	_ =	sdelay $0x4  }
0x270: {  	v3 =	vadd.f32 v4, v3;
	_ =	sdelay $0x1  }
0x271: {  	[tilespmem:s13+$0xFFFFFFA0] =	vst v3  }
0x272: {  	v3 =	vld [tilespmem:s14+$0xFFFFFFB0]  }
0x273: {  	v4 =	vld [tilespmem:s12+$0xFFFFFFB0];
	_ =	sdelay $0x4  }
0x274: {  	v3 =	vadd.f32 v4, v3;
	_ =	sdelay $0x1  }
0x275: {  	[tilespmem:s13+$0xFFFFFFB0] =	vst v3  }
0x276: {  	v3 =	vld [tilespmem:s14+$0x0]  }
0x277: {  	v4 =	vld [tilespmem:s12+$0x0];
	_ =	sdelay $0x4  }
0x278: {  	v3 =	vadd.f32 v4, v3;
	_ =	sdelay $0x1  }
0x279: {  	[tilespmem:s13+$0x0] =	vst v3  }
0x27a: {  	v3 =	vld [tilespmem:s14+$0x10]  }
0x27b: {  	v4 =	vld [tilespmem:s12+$0x10];
	_ =	sdelay $0x4  }
0x27c: {  	v3 =	vadd.f32 v4, v3;
	_ =	sdelay $0x1  }
0x27d: {  	[tilespmem:s13+$0x10] =	vst v3  }
0x27e: {  	v3 =	vld [tilespmem:s14+$0x20]  }
0x27f: {  	v4 =	vld [tilespmem:s12+$0x20];
	_ =	sdelay $0x3  }
.Ltmp3:
0x280: {  	(pc) =	sbr.rel @p0 .LBB2_6-.Ltmp3, $3  }
0x281: {  	v3 =	vadd.f32 v4, v3;
	_ =	sdelay $0x1  }
0x282: {  	[tilespmem:s13+$0x20] =	vst v3  }
0x283: {  	s13 =	sadd.s32 $0x100, s13;
	v3 =	vld [tilespmem:s14+$0x30]  }
0x284: {  	v4 =	vld [tilespmem:s12+$0x30]  }
0x285: {  	s9 =	sadd.s32 $0x1, s9  }
0x286: {  	p0 =	sne.s32 s9, $0x4  }
.Ltmp4:
0x287: {  	_ = 	snop;
	(pc) =	sbr.rel @p0 .LBB2_5-.Ltmp4, $3  }
0x288: {  	_ = 	snop  }
0x289: {  	v3 =	vadd.f32 v4, v3;
	_ =	sdelay $0x1  }
0x28a: {  	s5 =	sadd.s32 $0xD00, s5;
	s7 =	sadd.s32 $0xD00, s7;
	s8 =	sadd.s32 $0x1000, s8;
	[tilespmem:s11+$0x30] =	vst v3  }
0x28b: {  	p0 =	seq.s32 s1, $0x0  }
0x28c: {  	s0 =	simm.s32 @!p0 $0x3  }
0x28d: {  	_ =	swait.ge @!p0 [sflag:s0], $0x3400  }
0x28e: {  	s2 =	sshll.u32 s1, $0xC;
	[sflag:s0] =	ssyncset.done @!p0 $0x0  }
0x28f: {  	s8 =	sadd.s32 s2, s18;
	[sflag:s0] =	ssyncadd.s32 @!p0 $0xFFFFCC00  }
0x290: {  	[hbm4b:s8+s10] =	stream.linear.scatter [tilespmem:s22], [sflag:$0x3], $0xD00, $0x38;
	[tilespmem:$0x17700] =	vst v63  }
0x291: {  	s13 =	sadd.s32 $0x200, s8  }
0x292: {  	[hbm4b:s13+s10] =	stream.linear.scatter [tilespmem:s23], [sflag:$0x3], $0xD00, $0x38;
	[tilespmem:$0x17700] =	vst v63  }
0x293: {  	p1 =	seq.s32 s1, $0xF;
	s14 =	sadd.s32 $0x400, s8  }
0x294: {  	[hbm4b:s14+s10] =	stream.linear.scatter [tilespmem:s24], [sflag:$0x3], $0xD00, $0x38;
	[tilespmem:$0x17700] =	vst v63  }
0x295: {  	s2 =	smul.u32 @!p1 $0xD0, s1;
	s15 =	sadd.s32 $0x600, s8  }
0x296: {  	[hbm4b:s15+s10] =	stream.linear.scatter [tilespmem:s25], [sflag:$0x3], $0xD00, $0x38;
	[tilespmem:$0x17700] =	vst v63  }
0x297: {  	s3 =	simm.s32 @!p1 $0x68;
	s4 =	simm.s32 @!p1 $0x2700;
	s0 =	sadd.s32 @!p1 $0xDD0, s2  }
0x298: {  	[tilespmem:s4], [sflag:$0x1] =	stream.indirect.gather @!p1 [hbm4b:s16+s3], $0x80, s0, s3, $0xb8;
	[tilespmem:$0x17700] =	vst v63  }
0x299: {  	s0 =	sadd.s32 @!p1 $0x1AD0, s2;
	s2 =	simm.s32 @!p1 $0x5B00  }
0x29a: {  	[tilespmem:s2], [sflag:$0x1] =	stream.indirect.gather @!p1 [hbm4b:s17+s3], $0x80, s0, s3, $0xb8;
	[tilespmem:$0x17700] =	vst v63  }
0x29b: {  	_ =	swait.ge [sflag:s26], $0x3400  }
0x29c: {  	[sflag:s26] =	ssyncset.done $0x0  }
0x29d: {  	[sflag:s26] =	ssyncadd.s32 $0xFFFFCC00  }
0x29e: {  	_ =	swait.ge [sflag:s26], $0x3400  }
0x29f: {  	s5 =	simm.s32 $0x0;
	s7 =	simm.s32 $0x10380;
	[sflag:s26] =	ssyncset.done $0x0  }
0x2a0: {  	s9 =	simm.s32 $0xCF80;
	s11 =	simm.s32 $0x13780;
	[sflag:s26] =	ssyncadd.s32 $0xFFFFCC00  }
.LBB2_9:
0x2a1: {  	v3 =	vld [tilespmem:s9+$0xFFFFFF80]  }
0x2a2: {  	v4 =	vld [tilespmem:s7+$0xFFFFFF80];
	_ =	sdelay $0x4  }
0x2a3: {  	v3 =	vadd.f32 v4, v3;
	_ =	sdelay $0x1  }
0x2a4: {  	[tilespmem:s11+$0xFFFFFF80] =	vst v3  }
0x2a5: {  	v3 =	vld [tilespmem:s7+$0xFFFFFF90]  }
0x2a6: {  	v4 =	vld [tilespmem:s9+$0xFFFFFF90];
	_ =	sdelay $0x4  }
0x2a7: {  	v3 =	vadd.f32 v3, v4;
	_ =	sdelay $0x1  }
0x2a8: {  	[tilespmem:s11+$0xFFFFFF90] =	vst v3  }
0x2a9: {  	v3 =	vld [tilespmem:s9+$0xFFFFFFA0]  }
0x2aa: {  	v4 =	vld [tilespmem:s7+$0xFFFFFFA0];
	_ =	sdelay $0x4  }
0x2ab: {  	v3 =	vadd.f32 v4, v3;
	_ =	sdelay $0x1  }
0x2ac: {  	[tilespmem:s11+$0xFFFFFFA0] =	vst v3  }
0x2ad: {  	v3 =	vld [tilespmem:s9+$0xFFFFFFB0]  }
0x2ae: {  	v4 =	vld [tilespmem:s7+$0xFFFFFFB0];
	_ =	sdelay $0x4  }
0x2af: {  	v3 =	vadd.f32 v4, v3;
	_ =	sdelay $0x1  }
0x2b0: {  	[tilespmem:s11+$0xFFFFFFB0] =	vst v3  }
0x2b1: {  	v3 =	vld [tilespmem:s9+$0x0]  }
0x2b2: {  	v4 =	vld [tilespmem:s7+$0x0];
	_ =	sdelay $0x4  }
0x2b3: {  	v3 =	vadd.f32 v4, v3;
	_ =	sdelay $0x1  }
0x2b4: {  	[tilespmem:s11+$0x0] =	vst v3  }
0x2b5: {  	v3 =	vld [tilespmem:s9+$0x10]  }
0x2b6: {  	v4 =	vld [tilespmem:s7+$0x10];
	_ =	sdelay $0x4  }
0x2b7: {  	v3 =	vadd.f32 v4, v3;
	_ =	sdelay $0x1  }
0x2b8: {  	[tilespmem:s11+$0x10] =	vst v3  }
0x2b9: {  	v3 =	vld [tilespmem:s9+$0x20]  }
0x2ba: {  	v4 =	vld [tilespmem:s7+$0x20];
	_ =	sdelay $0x4  }
0x2bb: {  	v3 =	vadd.f32 v4, v3;
	_ =	sdelay $0x1  }
0x2bc: {  	s0 =	simm.s32 $0x0;
	s14 =	sadd.s32 $0x100, s11;
	[tilespmem:s11+$0x20] =	vst v3  }
0x2bd: {  	s13 =	smov.u32 s7;
	s15 =	smov.u32 s9;
	s12 =	smov.u32 s11;
	v3 =	vld [tilespmem:s9+$0x30]  }
.LBB2_10:
0x2be: {  	s0 =	sadd.s32 $0x2, s0;
	v4 =	vld [tilespmem:s13+$0x30];
	s13 =	sadd.s32 $0x100, s13;
	s15 =	sadd.s32 $0x100, s15  }
0x2bf: {  	p2 =	slt.u32 s0, $0x18;
	_ =	sdelay $0x3  }
0x2c0: {  	v3 =	vadd.f32 v4, v3;
	_ =	sdelay $0x1  }
0x2c1: {  	[tilespmem:s12+$0x30] =	vst v3;
	s12 =	smov.u32 s14  }
0x2c2: {  	v3 =	vld [tilespmem:s15+$0xFFFFFF80]  }
0x2c3: {  	v4 =	vld [tilespmem:s13+$0xFFFFFF80];
	_ =	sdelay $0x4  }
0x2c4: {  	v3 =	vadd.f32 v4, v3;
	_ =	sdelay $0x1  }
0x2c5: {  	[tilespmem:s14+$0xFFFFFF80] =	vst v3  }
0x2c6: {  	v3 =	vld [tilespmem:s13+$0xFFFFFF90]  }
0x2c7: {  	v4 =	vld [tilespmem:s15+$0xFFFFFF90];
	_ =	sdelay $0x4  }
0x2c8: {  	v3 =	vadd.f32 v3, v4;
	_ =	sdelay $0x1  }
0x2c9: {  	[tilespmem:s14+$0xFFFFFF90] =	vst v3  }
0x2ca: {  	v3 =	vld [tilespmem:s15+$0xFFFFFFA0]  }
0x2cb: {  	v4 =	vld [tilespmem:s13+$0xFFFFFFA0];
	_ =	sdelay $0x4  }
0x2cc: {  	v3 =	vadd.f32 v4, v3;
	_ =	sdelay $0x1  }
0x2cd: {  	[tilespmem:s14+$0xFFFFFFA0] =	vst v3  }
0x2ce: {  	v3 =	vld [tilespmem:s15+$0xFFFFFFB0]  }
0x2cf: {  	v4 =	vld [tilespmem:s13+$0xFFFFFFB0];
	_ =	sdelay $0x4  }
0x2d0: {  	v3 =	vadd.f32 v4, v3;
	_ =	sdelay $0x1  }
0x2d1: {  	[tilespmem:s14+$0xFFFFFFB0] =	vst v3  }
0x2d2: {  	v3 =	vld [tilespmem:s15+$0x0]  }
0x2d3: {  	v4 =	vld [tilespmem:s13+$0x0];
	_ =	sdelay $0x4  }
0x2d4: {  	v3 =	vadd.f32 v4, v3;
	_ =	sdelay $0x1  }
0x2d5: {  	[tilespmem:s14+$0x0] =	vst v3  }
0x2d6: {  	v3 =	vld [tilespmem:s15+$0x10]  }
0x2d7: {  	v4 =	vld [tilespmem:s13+$0x10];
	_ =	sdelay $0x4  }
0x2d8: {  	v3 =	vadd.f32 v4, v3;
	_ =	sdelay $0x1  }
0x2d9: {  	[tilespmem:s14+$0x10] =	vst v3  }
0x2da: {  	v3 =	vld [tilespmem:s15+$0x20]  }
0x2db: {  	v4 =	vld [tilespmem:s13+$0x20];
	_ =	sdelay $0x3  }
.Ltmp5:
0x2dc: {  	(pc) =	sbr.rel @p2 .LBB2_10-.Ltmp5, $3  }
0x2dd: {  	v3 =	vadd.f32 v4, v3;
	_ =	sdelay $0x1  }
0x2de: {  	[tilespmem:s14+$0x20] =	vst v3  }
0x2df: {  	s14 =	sadd.s32 $0x100, s14;
	v3 =	vld [tilespmem:s15+$0x30]  }
0x2e0: {  	v4 =	vld [tilespmem:s13+$0x30]  }
0x2e1: {  	s5 =	sadd.s32 $0x1, s5  }
0x2e2: {  	p2 =	sne.s32 s5, $0x4  }
.Ltmp6:
0x2e3: {  	_ = 	snop;
	(pc) =	sbr.rel @p2 .LBB2_9-.Ltmp6, $3  }
0x2e4: {  	_ = 	snop  }
0x2e5: {  	v3 =	vadd.f32 v4, v3;
	_ =	sdelay $0x1  }
0x2e6: {  	s7 =	sadd.s32 $0xD00, s7;
	s9 =	sadd.s32 $0xD00, s9;
	s11 =	sadd.s32 $0x1000, s11;
	[tilespmem:s12+$0x30] =	vst v3  }
0x2e7: {  	s0 =	simm.s32 @!p0 $0x4  }
0x2e8: {  	_ =	swait.ge @!p0 [sflag:s0], $0x3400  }
0x2e9: {  	[sflag:s0] =	ssyncset.done @!p0 $0x0  }
0x2ea: {  	s12 =	sadd.s32 $0x800, s8;
	[sflag:s0] =	ssyncadd.s32 @!p0 $0xFFFFCC00  }
0x2eb: {  	[hbm4b:s12+s10] =	stream.linear.scatter [tilespmem:s28], [sflag:$0x4], $0xD00, $0x38;
	[tilespmem:$0x17700] =	vst v63  }
0x2ec: {  	s13 =	sadd.s32 $0xA00, s8  }
0x2ed: {  	[hbm4b:s13+s10] =	stream.linear.scatter [tilespmem:s29], [sflag:$0x4], $0xD00, $0x38;
	[tilespmem:$0x17700] =	vst v63  }
.Ltmp7:
0x2ee: {  	_ = 	snop;
	(pc) =	sbr.rel @p1 .LBB2_14-.Ltmp7, $4  }
0x2ef: {  	s14 =	sadd.s32 $0xC00, s8  }
0x2f0: {  	[hbm4b:s14+s10] =	stream.linear.scatter [tilespmem:s30], [sflag:$0x4], $0xD00, $0x38;
	[tilespmem:$0x17700] =	vst v63  }
0x2f1: {  	s15 =	sadd.s32 $0xE00, s8  }
0x2f2: {  	[hbm4b:s15+s10] =	stream.linear.scatter [tilespmem:s31], [sflag:$0x4], $0xD00, $0x38;
	[tilespmem:$0x17700] =	vst v63  }
0x2f3: {  	s0 =	smul.u32 $0xD0, s1  }
.Ltmp8:
0x2f4: {  	_ = 	snop;
	(pc) =	sbr.rel .LBB2_4-.Ltmp8, $4  }
0x2f5: {  	s2 =	sadd.s32 $0xE38, s0  }
0x2f6: {  	[tilespmem:s19], [sflag:$0x2] =	stream.indirect.gather [hbm4b:s16+s6], $0x80, s2, s6, $0xb8;
	[tilespmem:$0x17700] =	vst v63  }
0x2f7: {  	s1 =	sadd.s32 $0x1, s1;
	s0 =	sadd.s32 $0x1B38, s0  }
0x2f8: {  	[tilespmem:s20], [sflag:$0x2] =	stream.indirect.gather [hbm4b:s17+s6], $0x80, s0, s6, $0xb8;
	[tilespmem:$0x17700] =	vst v63  }
.LBB2_15:
0x2f9: {  	_ =	sfence.sel $0x180000  }
0x2fa: {  	[bflag:$0x0] =	sbarrier.arrive $0xFFFF  }
0x2fb: {  	_ =	strace $0x90000047  }
0x2fc: {  	s0 =	stileid.u32;
	[bflag:$0x2] =	sbarrier.arrive $0xFFFF  }
0x2fd: {  	p0 =	sne.s32 s0, $0x0;
	s0 =	rddreg [dreg:$0x2]  }
0x2fe: {  	s0 =	sadd.s32 @!p0 $0x100000, s0  }
0x2ff: {  	[sflag:s0] =	ssyncadd.tile.s32 @!p0 $0x1;
	_ =	shalt  }
.Lfunc_end2:
_tile_overlayer_lowered:
.L_overlay_start_2:
0x300: {  	(tag) =	ssettag $0x2  }
0x301: {  	s0 =	rddreg [dreg:$0x0];
	s2 =	stileid.u32  }
0x302: {  	s1 =	rddreg [dreg:$0x1];
	p0 =	sne.s32 s2, $0x0  }
0x303: {  	s3 =	rddreg [dreg:$0x2];
	[bflag:$0x3] =	sbarrier.arrive $0xFFFF;
	s2 =	simm.s32 @!p0 $0x1C05  }
0x304: {  	[timem:s3], [sflag:s2] =	dma.local @!p0 [hbm:s0], s1  }
0x305: {  	s0 =	simm.s32 @!p0 $0x5  }
0x306: {  	_ =	swait.ge @!p0 [sflag:s0], s1  }
0x307: {  	s1 =	ssub.s32 @!p0 $0x0, s1;
	[sflag:s0] =	ssyncset.done @!p0 $0x0  }
0x308: {  	[sflag:s0] =	ssyncadd.s32 @!p0 s1  }
0x309: {  	[bflag:$0x3] =	sbarrier.arrive $0xFFFF  }
0x30a: {  	_ =	shalt  }

</sc_bundles>
